<compile_context>
chip_gen: v7x
topology: tpu7x:2x2x1
jax: 0.10.2.dev20260603
libtpu: 0.0.44.dev20260713+nightly
codegen_flags: <defaults>
</compile_context>

<pallas_src>
import functools

import jax
import jax.numpy as jnp
from jax import lax
from jax.experimental import pallas as pl
from jax.experimental.pallas import tpu as pltpu
from jax.experimental.pallas import tpu_sc as plsc

LANES = 16
NUM_WORKERS = 32
IDX_CHUNK = 128
GATHER_CHUNK = 512


def _make_sc_kernel(W, B, V, D):
  b_per_w = B // NUM_WORKERS
  rows_per_w = b_per_w * W
  n_blocks = b_per_w // LANES
  n_chunks = rows_per_w // GATHER_CHUNK
  copies_per_chunk = GATHER_CHUNK // IDX_CHUNK
  mesh = plsc.VectorSubcoreMesh(core_axis_name="c", subcore_axis_name="s")

  @functools.partial(
      pl.kernel,
      out_type=(
          jax.ShapeDtypeStruct((B * W, D), jnp.float32),
          jax.ShapeDtypeStruct((B * W,), jnp.float32),
          jax.ShapeDtypeStruct((B,), jnp.int32),
      ),
      mesh=mesh,
      compiler_params=pltpu.CompilerParams(
          needs_layout_passes=False, use_tc_tiling_on_sc=False,
          disable_bounds_checks=True),
      scratch_types=[
          pltpu.VMEM((W, b_per_w), jnp.int32),
          pltpu.VMEM((W, b_per_w), jnp.float32),
          pltpu.VMEM((b_per_w,), jnp.int32),
          pltpu.VMEM((b_per_w,), jnp.int32),
          pltpu.VMEM((rows_per_w,), jnp.int32),
          pltpu.VMEM((rows_per_w,), jnp.float32),
          pltpu.VMEM((rows_per_w,), jnp.float32),
          pltpu.VMEM((GATHER_CHUNK, D), jnp.float32),
          pltpu.SemaphoreType.DMA,
      ],
  )
  def sc_kernel(table_hbm, rew_hbm, idx_hbm, len_hbm,
                seq_hbm, mask_hbm, lens_hbm,
                idx_v, rew_v, len_v, lenc_v, gid_v, scale_v, mask_v,
                rows_v, sem):
    wid = lax.axis_index("s") * 2 + lax.axis_index("c")
    b0 = wid * b_per_w
    row0 = wid * rows_per_w

    pltpu.sync_copy(idx_hbm.at[:, pl.ds(b0, b_per_w)], idx_v)
    pltpu.sync_copy(rew_hbm.at[:, pl.ds(b0, b_per_w)], rew_v)
    pltpu.sync_copy(len_hbm.at[pl.ds(b0, b_per_w)], len_v)

    def blk_body(blk, carry):
      bi = blk * LANES + jnp.arange(LANES, dtype=jnp.int32)
      L = len_v[pl.ds(blk * LANES, LANES)]
      Lc = jnp.clip(L, 1, W)
      lenc_v[pl.ds(blk * LANES, LANES)] = jnp.clip(L, 0, W)
      for j in range(W):
        tj = jnp.where(j < Lc, Lc - 1 - j, j)
        g = plsc.load_gather(idx_v, [tj, bi])
        g = jnp.where(g == -1, V - 1, g)
        g = jnp.clip(g, 0, V - 1)
        r = plsc.load_gather(rew_v, [tj, bi])
        live = j < L
        m = jnp.where(live, jnp.float32(1.0), jnp.float32(0.0))
        s = jnp.minimum(r, jnp.float32(1.0)) * m
        pos = bi * W + j
        plsc.store_scatter(gid_v, [pos], g)
        plsc.store_scatter(scale_v, [pos], s)
        plsc.store_scatter(mask_v, [pos], m)
      return carry

    lax.fori_loop(0, n_blocks, blk_body, 0)

    pltpu.sync_copy(mask_v, mask_hbm.at[pl.ds(row0, rows_per_w)])
    pltpu.sync_copy(lenc_v, lens_hbm.at[pl.ds(b0, b_per_w)])

    def chunk_body(c, carry):
      r0 = c * GATHER_CHUNK
      cps = []
      for k in range(copies_per_chunk):
        cps.append(pltpu.async_copy(
            table_hbm.at[gid_v.at[pl.ds(r0 + k * IDX_CHUNK, IDX_CHUNK)]],
            rows_v.at[pl.ds(k * IDX_CHUNK, IDX_CHUNK)],
            sem))
      for cp in cps:
        cp.wait()

      def grp_body(g, rcarry):
        rbase = g * LANES
        sv = scale_v[pl.ds(r0 + rbase, LANES)]
        for i in range(LANES):
          s = sv[i]
          for h in range(D // LANES):
            seg = rows_v[rbase + i, pl.ds(h * LANES, LANES)]
            rows_v[rbase + i, pl.ds(h * LANES, LANES)] = seg * s
        return rcarry

      lax.fori_loop(0, GATHER_CHUNK // LANES, grp_body, 0)
      pltpu.sync_copy(rows_v, seq_hbm.at[pl.ds(row0 + r0, GATHER_CHUNK)])
      return carry

    lax.fori_loop(0, n_chunks, chunk_body, 0)

  return sc_kernel


def kernel(item_table, rewards, item_indices, lengths):
  W, B = item_indices.shape
  V, D = item_table.shape
  sc = _make_sc_kernel(W, B, V, D)
  seq_rows, mask_flat, len_states = sc(
      item_table, rewards, item_indices.astype(jnp.int32),
      lengths.astype(jnp.int32))
  seq = seq_rows.reshape(B, W, D)
  mask_bw = mask_flat.reshape(B, W, 1)
  return seq, mask_bw, len_states

# --- scband reference (transcript-rebuilt; emitter-appended) ---
"""Pipeline reference for scband-state-tracker-base-61160334295637 (READ-ONLY COPY).

The authoritative reference and input builder live on the scoring server;
editing this copy changes nothing except your own understanding.
"""

import jax, jax.numpy as jnp
import numpy as np

NUM_ITEM = 1_000_000
EMBED_DIM = 32
WINDOW = 10
BATCH = 16384
R_MIN = 0.0
R_MAX = 1.0


def setup_inputs(seed: int = 0) -> dict:
    key = jax.random.key(seed)
    k1, k2, k3, k4 = jax.random.split(key, 4)
    # learned item embedding table, size (num_item + 1, hidden) as in torch init
    item_table = jax.random.normal(k1, (NUM_ITEM + 1, EMBED_DIM), dtype=jnp.float32) * 0.01
    # stacked (window, batch) item ids pulled from the replay buffer walk
    item_indices = jax.random.randint(k2, (WINDOW, BATCH), 0, NUM_ITEM)
    # previous-step rewards aligned with the item ids
    rewards = jax.random.uniform(k3, (WINDOW, BATCH), dtype=jnp.float32)
    # per-episode live lengths in [1, WINDOW] -> defines the monotone live_mat
    lengths = jax.random.randint(k4, (BATCH,), 1, WINDOW + 1)
    return {"item_table": item_table, "rewards": rewards,
            "item_indices": item_indices, "lengths": lengths}


def reference(item_table, rewards, item_indices, lengths):
    W, B = item_indices.shape
    # get_embedding('action'): map -1 sentinel to padding row num_item, then gather
    idx = jnp.where(item_indices == -1, NUM_ITEM, item_indices)
    e_i = jnp.take(item_table, idx.reshape(-1), axis=0)          # (W*B, d)
    # feedback is a dense value column -> raw reward as (W*B, 1)
    e_r = rewards.reshape(-1, 1)
    # get_normed_reward with train_min/train_max, clipped at 1
    normed_r = (e_r - R_MIN) / (R_MAX - R_MIN)
    normed_r = jnp.minimum(normed_r, 1.0)
    # reward_handle == 'mul'
    state_flat = e_i * normed_r                                   # (W*B, d)
    state_cube = state_flat.reshape(W, B, -1)                     # (W, B, d)
    # live_mat: step t alive iff t < length (monotone, as produced by buffer walk)
    live_mat = jnp.arange(W)[:, None] < lengths[None, :]          # (W, B)
    mask = live_mat[..., None].astype(state_cube.dtype)           # (W, B, 1)
    state_masked = state_cube * mask
    emb_state = jnp.swapaxes(state_masked, 0, 1)                  # (B, W, d)
    len_states = live_mat.sum(0)                                  # (B,)
    mask_bw = jnp.swapaxes(mask, 0, 1)                            # (B, W, 1)
    # reverse_padded_sequence: flip first len entries per row, keep zeros after
    j = jnp.arange(W)[None, :]                                    # (1, W)
    src = jnp.where(j < len_states[:, None], len_states[:, None] - 1 - j, j)
    seq = jnp.take_along_axis(emb_state, src[..., None], axis=1)  # (B, W, d)
    # W == window_size so no extra zero padding branch is needed
    return seq, mask_bw, len_states

if __name__ == "__main__":
    import jax
    _d = setup_inputs()
    print(jax.jit(kernel)(*tuple(_d.values())))

</pallas_src>

<mosaic_0001>
#map = affine_map<(d0, d1) -> (0, 0)>
#map1 = affine_map<(d0, d1) -> (0)>
module attributes {stable_mosaic.version = 14 : i64} {
  func.func @sc_kernel(%arg0: i32, %arg1: i32, %arg2: memref<1000001x32xf32, #tpu.memory_space<hbm>>, %arg3: memref<10x16384xf32, #tpu.memory_space<hbm>>, %arg4: memref<10x16384xi32, #tpu.memory_space<hbm>>, %arg5: memref<16384xi32, #tpu.memory_space<hbm>>, %arg6: memref<163840x32xf32, #tpu.memory_space<hbm>>, %arg7: memref<163840xf32, #tpu.memory_space<hbm>>, %arg8: memref<16384xi32, #tpu.memory_space<hbm>>, %arg9: memref<10x512xi32, #tpu.memory_space<vmem>>, %arg10: memref<10x512xf32, #tpu.memory_space<vmem>>, %arg11: memref<512xi32, #tpu.memory_space<vmem>>, %arg12: memref<512xi32, #tpu.memory_space<vmem>>, %arg13: memref<5120xi32, #tpu.memory_space<vmem>>, %arg14: memref<5120xf32, #tpu.memory_space<vmem>>, %arg15: memref<5120xf32, #tpu.memory_space<vmem>>, %arg16: memref<512x32xf32, #tpu.memory_space<vmem>>, %arg17: memref<!tpu.dma_semaphore, #tpu.memory_space<semaphore_mem>>) attributes {dimension_semantics = [#tpu.dimension_semantics<core_parallel>, #tpu.dimension_semantics<subcore_parallel>], iteration_bounds = array<i64: 2, 16>, scalar_prefetch = 0 : i64, scratch_operands = 9 : i64, tpu.core_type = #tpu.core_type<sc_vector_subcore>, window_params = [{transform_indices = #map}, {transform_indices = #map}, {transform_indices = #map}, {transform_indices = #map1}, {transform_indices = #map}, {transform_indices = #map1}, {transform_indices = #map1}]} {
    %mul3A = arith.constant 2 : i32
    %mul3A_0 = arith.muli %arg1, %mul3A : i32
    %add3A = arith.addi %mul3A_0, %arg0 : i32
    %mul3A_1 = arith.constant 512 : i32
    %mul3A_2 = arith.muli %add3A, %mul3A_1 : i32
    %mul3A_3 = arith.constant 5120 : i32
    %mul3A_4 = arith.muli %add3A, %mul3A_3 : i32
    "tpu.region"() ({
      %run_scoped3A = tpu.sem_alloc : memref<!tpu.dma_semaphore, #tpu.memory_space<semaphore_mem>>
      %dma_start3A = arith.constant 0 : i32
      %dma_start3A_16 = tpu.memref_slice %arg4[%dma_start3A, %mul3A_2] : memref<10x16384xi32, #tpu.memory_space<hbm>> -> memref<10x512xi32, #tpu.memory_space<hbm>>
      %dma_start3A_17 = arith.constant 0 : i32
      %dma_start3A_18 = tpu.memref_slice %arg4[%dma_start3A_17, %mul3A_2] : memref<10x16384xi32, #tpu.memory_space<hbm>> -> memref<10x512xi32, #tpu.memory_space<hbm>>
      tpu.enqueue_dma source(%dma_start3A_18 : memref<10x512xi32, #tpu.memory_space<hbm>>) target(%arg9 : memref<10x512xi32, #tpu.memory_space<vmem>>) target_semaphore(%run_scoped3A : memref<!tpu.dma_semaphore, #tpu.memory_space<semaphore_mem>>)
      %dma_wait3A = arith.constant 0 : i32
      %dma_wait3A_19 = tpu.memref_slice %arg4[%dma_wait3A, %mul3A_2] : memref<10x16384xi32, #tpu.memory_space<hbm>> -> memref<10x512xi32, #tpu.memory_space<hbm>>
      %dma_wait3A_20 = arith.constant 0 : i32
      %dma_wait3A_21 = tpu.memref_slice %arg4[%dma_wait3A_20, %mul3A_2] : memref<10x16384xi32, #tpu.memory_space<hbm>> -> memref<10x512xi32, #tpu.memory_space<hbm>>
      tpu.wait_dma2 semaphore(%run_scoped3A : memref<!tpu.dma_semaphore, #tpu.memory_space<semaphore_mem>>) src(%dma_wait3A_21 : memref<10x512xi32, #tpu.memory_space<hbm>>) dst(%arg9 : memref<10x512xi32, #tpu.memory_space<vmem>>)
      tpu.yield
    }) : () -> ()
    "tpu.region"() ({
      %run_scoped3A = tpu.sem_alloc : memref<!tpu.dma_semaphore, #tpu.memory_space<semaphore_mem>>
      %dma_start3A = arith.constant 0 : i32
      %dma_start3A_16 = tpu.memref_slice %arg3[%dma_start3A, %mul3A_2] : memref<10x16384xf32, #tpu.memory_space<hbm>> -> memref<10x512xf32, #tpu.memory_space<hbm>>
      %dma_start3A_17 = arith.constant 0 : i32
      %dma_start3A_18 = tpu.memref_slice %arg3[%dma_start3A_17, %mul3A_2] : memref<10x16384xf32, #tpu.memory_space<hbm>> -> memref<10x512xf32, #tpu.memory_space<hbm>>
      tpu.enqueue_dma source(%dma_start3A_18 : memref<10x512xf32, #tpu.memory_space<hbm>>) target(%arg10 : memref<10x512xf32, #tpu.memory_space<vmem>>) target_semaphore(%run_scoped3A : memref<!tpu.dma_semaphore, #tpu.memory_space<semaphore_mem>>)
      %dma_wait3A = arith.constant 0 : i32
      %dma_wait3A_19 = tpu.memref_slice %arg3[%dma_wait3A, %mul3A_2] : memref<10x16384xf32, #tpu.memory_space<hbm>> -> memref<10x512xf32, #tpu.memory_space<hbm>>
      %dma_wait3A_20 = arith.constant 0 : i32
      %dma_wait3A_21 = tpu.memref_slice %arg3[%dma_wait3A_20, %mul3A_2] : memref<10x16384xf32, #tpu.memory_space<hbm>> -> memref<10x512xf32, #tpu.memory_space<hbm>>
      tpu.wait_dma2 semaphore(%run_scoped3A : memref<!tpu.dma_semaphore, #tpu.memory_space<semaphore_mem>>) src(%dma_wait3A_21 : memref<10x512xf32, #tpu.memory_space<hbm>>) dst(%arg10 : memref<10x512xf32, #tpu.memory_space<vmem>>)
      tpu.yield
    }) : () -> ()
    "tpu.region"() ({
      %run_scoped3A = tpu.sem_alloc : memref<!tpu.dma_semaphore, #tpu.memory_space<semaphore_mem>>
      %dma_start3A = tpu.memref_slice %arg5[%mul3A_2] : memref<16384xi32, #tpu.memory_space<hbm>> -> memref<512xi32, #tpu.memory_space<hbm>>
      %dma_start3A_16 = tpu.memref_slice %arg5[%mul3A_2] : memref<16384xi32, #tpu.memory_space<hbm>> -> memref<512xi32, #tpu.memory_space<hbm>>
      tpu.enqueue_dma source(%dma_start3A_16 : memref<512xi32, #tpu.memory_space<hbm>>) target(%arg11 : memref<512xi32, #tpu.memory_space<vmem>>) target_semaphore(%run_scoped3A : memref<!tpu.dma_semaphore, #tpu.memory_space<semaphore_mem>>)
      %dma_wait3A = tpu.memref_slice %arg5[%mul3A_2] : memref<16384xi32, #tpu.memory_space<hbm>> -> memref<512xi32, #tpu.memory_space<hbm>>
      %dma_wait3A_17 = tpu.memref_slice %arg5[%mul3A_2] : memref<16384xi32, #tpu.memory_space<hbm>> -> memref<512xi32, #tpu.memory_space<hbm>>
      tpu.wait_dma2 semaphore(%run_scoped3A : memref<!tpu.dma_semaphore, #tpu.memory_space<semaphore_mem>>) src(%dma_wait3A_17 : memref<512xi32, #tpu.memory_space<hbm>>) dst(%arg11 : memref<512xi32, #tpu.memory_space<vmem>>)
      tpu.yield
    }) : () -> ()
    %scan3A = arith.constant 0 : i32
    %scan3A_5 = arith.constant 0 : i32
    %scan3A_6 = arith.constant 32 : i32
    %scan3A_7 = arith.addi %scan3A_5, %scan3A_6 : i32
    %scan3A_8 = arith.constant 1 : i32
    scf.for %scan3A_16 = %scan3A_5 to %scan3A_7 step %scan3A_8  : i32 {
      %mul3A_17 = arith.constant 16 : i32
      %mul3A_18 = arith.muli %scan3A_16, %mul3A_17 : i32
      %iota3A = tpu.iota {dimensions = array<i32: 0>} : vector<16xi32>
      %add3A_19 = vector.broadcast %mul3A_18 : i32 to vector<16xi32>
      %add3A_20 = arith.addi %add3A_19, %iota3A : vector<16xi32>
      %mul3A_21 = arith.constant 16 : i32
      %mul3A_22 = arith.muli %scan3A_16, %mul3A_21 : i32
      %get3A = arith.index_cast %mul3A_22 : i32 to index
      %get3A_23 = tpu.vector_load %arg11[%get3A] {strides = array<i32>} : memref<512xi32, #tpu.memory_space<vmem>>, vector<16xi32>,
      %jit3A = arith.constant 1 : i32
      %jit3A_24 = arith.constant 10 : i32
      %max3A = vector.broadcast %jit3A : i32 to vector<16xi32>
      %max3A_25 = arith.maxsi %max3A, %get3A_23 : vector<16xi32>
      %min3A = vector.broadcast %jit3A_24 : i32 to vector<16xi32>
      %min3A_26 = arith.minsi %min3A, %max3A_25 : vector<16xi32>
      %jit3A_27 = arith.constant 0 : i32
      %jit3A_28 = arith.constant 10 : i32
      %max3A_29 = vector.broadcast %jit3A_27 : i32 to vector<16xi32>
      %max3A_30 = arith.maxsi %max3A_29, %get3A_23 : vector<16xi32>
      %min3A_31 = vector.broadcast %jit3A_28 : i32 to vector<16xi32>
      %min3A_32 = arith.minsi %min3A_31, %max3A_30 : vector<16xi32>
      %mul3A_33 = arith.constant 16 : i32
      %mul3A_34 = arith.muli %scan3A_16, %mul3A_33 : i32
      %swap3A = arith.index_cast %mul3A_34 : i32 to index
      %swap3A_35 = tpu.vector_load %arg12[%swap3A] {strides = array<i32>} : memref<512xi32, #tpu.memory_space<vmem>>, vector<16xi32>,
      tpu.vector_store %arg12[%swap3A], %min3A_32 {strides = array<i32>} : memref<512xi32, #tpu.memory_space<vmem>>, vector<16xi32>,
      %gt3A = arith.constant 0 : i32
      %gt3A_36 = vector.broadcast %gt3A : i32 to vector<16xi32>
      %gt3A_37 = arith.cmpi sgt, %min3A_26, %gt3A_36 : vector<16xi32>
      %sub3A = arith.constant 1 : i32
      %sub3A_38 = vector.broadcast %sub3A : i32 to vector<16xi32>
      %sub3A_39 = arith.subi %min3A_26, %sub3A_38 : vector<16xi32>
      %sub3A_40 = arith.constant 0 : i32
      %sub3A_41 = vector.broadcast %sub3A_40 : i32 to vector<16xi32>
      %sub3A_42 = arith.subi %sub3A_39, %sub3A_41 : vector<16xi32>
      %jit3A_43 = arith.constant 0 : i32
      %broadcast_in_dim3A = vector.broadcast %jit3A_43 : i32 to vector<16xi32>
      %select_n3A = arith.select %gt3A_37, %sub3A_42, %broadcast_in_dim3A : vector<16xi1>, vector<16xi32>
      %gather3A = tpu.vector_load_idx %arg9[%select_n3A, %add3A_20] : memref<10x512xi32, #tpu.memory_space<vmem>>[vector<16xi32>, vector<16xi32>], vector<16xi32>,
      %eq3A = arith.constant -1 : i32
      %eq3A_44 = vector.broadcast %eq3A : i32 to vector<16xi32>
      %eq3A_45 = arith.cmpi eq, %gather3A, %eq3A_44 : vector<16xi32>
      %jit3A_46 = arith.constant 1000000 : i32
      %broadcast_in_dim3A_47 = vector.broadcast %jit3A_46 : i32 to vector<16xi32>
      %select_n3A_48 = arith.select %eq3A_45, %broadcast_in_dim3A_47, %gather3A : vector<16xi1>, vector<16xi32>
      %jit3A_49 = arith.constant 0 : i32
      %jit3A_50 = arith.constant 1000000 : i32
      %max3A_51 = vector.broadcast %jit3A_49 : i32 to vector<16xi32>
      %max3A_52 = arith.maxsi %max3A_51, %select_n3A_48 : vector<16xi32>
      %min3A_53 = vector.broadcast %jit3A_50 : i32 to vector<16xi32>
      %min3A_54 = arith.minsi %min3A_53, %max3A_52 : vector<16xi32>
      %gather3A_55 = tpu.vector_load_idx %arg10[%select_n3A, %add3A_20] : memref<10x512xf32, #tpu.memory_space<vmem>>[vector<16xi32>, vector<16xi32>], vector<16xf32>,
      %gt3A_56 = arith.constant 0 : i32
      %gt3A_57 = vector.broadcast %gt3A_56 : i32 to vector<16xi32>
      %gt3A_58 = arith.cmpi sgt, %get3A_23, %gt3A_57 : vector<16xi32>
      %jit3A_59 = arith.constant 1.000000e+00 : f32
      %jit3A_60 = arith.constant 0.000000e+00 : f32
      %broadcast_in_dim3A_61 = vector.broadcast %jit3A_59 : f32 to vector<16xf32>
      %broadcast_in_dim3A_62 = vector.broadcast %jit3A_60 : f32 to vector<16xf32>
      %select_n3A_63 = arith.select %gt3A_58, %broadcast_in_dim3A_61, %broadcast_in_dim3A_62 : vector<16xi1>, vector<16xf32>
      %min3A_64 = arith.constant 1.000000e+00 : f32
      %min3A_65 = vector.broadcast %min3A_64 : f32 to vector<16xf32>
      %min3A_66 = arith.minimumf %gather3A_55, %min3A_65 : vector<16xf32>
      %mul3A_67 = arith.mulf %min3A_66, %select_n3A_63 : vector<16xf32>
      %mul3A_68 = arith.constant 10 : i32
      %mul3A_69 = vector.broadcast %mul3A_68 : i32 to vector<16xi32>
      %mul3A_70 = arith.muli %add3A_20, %mul3A_69 : vector<16xi32>
      %add3A_71 = arith.constant 0 : i32
      %add3A_72 = vector.broadcast %add3A_71 : i32 to vector<16xi32>
      %add3A_73 = arith.addi %mul3A_70, %add3A_72 : vector<16xi32>
      tpu.vector_store_idx %arg13[%add3A_73], %min3A_54 : memref<5120xi32, #tpu.memory_space<vmem>>[vector<16xi32>], vector<16xi32>,
      tpu.vector_store_idx %arg14[%add3A_73], %mul3A_67 : memref<5120xf32, #tpu.memory_space<vmem>>[vector<16xi32>], vector<16xf32>,
      tpu.vector_store_idx %arg15[%add3A_73], %select_n3A_63 : memref<5120xf32, #tpu.memory_space<vmem>>[vector<16xi32>], vector<16xf32>,
      %gt3A_74 = arith.constant 1 : i32
      %gt3A_75 = vector.broadcast %gt3A_74 : i32 to vector<16xi32>
      %gt3A_76 = arith.cmpi sgt, %min3A_26, %gt3A_75 : vector<16xi32>
      %sub3A_77 = arith.constant 1 : i32
      %sub3A_78 = vector.broadcast %sub3A_77 : i32 to vector<16xi32>
      %sub3A_79 = arith.subi %min3A_26, %sub3A_78 : vector<16xi32>
      %sub3A_80 = arith.constant 1 : i32
      %sub3A_81 = vector.broadcast %sub3A_80 : i32 to vector<16xi32>
      %sub3A_82 = arith.subi %sub3A_79, %sub3A_81 : vector<16xi32>
      %jit3A_83 = arith.constant 1 : i32
      %broadcast_in_dim3A_84 = vector.broadcast %jit3A_83 : i32 to vector<16xi32>
      %select_n3A_85 = arith.select %gt3A_76, %sub3A_82, %broadcast_in_dim3A_84 : vector<16xi1>, vector<16xi32>
      %gather3A_86 = tpu.vector_load_idx %arg9[%select_n3A_85, %add3A_20] : memref<10x512xi32, #tpu.memory_space<vmem>>[vector<16xi32>, vector<16xi32>], vector<16xi32>,
      %eq3A_87 = arith.constant -1 : i32
      %eq3A_88 = vector.broadcast %eq3A_87 : i32 to vector<16xi32>
      %eq3A_89 = arith.cmpi eq, %gather3A_86, %eq3A_88 : vector<16xi32>
      %jit3A_90 = arith.constant 1000000 : i32
      %broadcast_in_dim3A_91 = vector.broadcast %jit3A_90 : i32 to vector<16xi32>
      %select_n3A_92 = arith.select %eq3A_89, %broadcast_in_dim3A_91, %gather3A_86 : vector<16xi1>, vector<16xi32>
      %jit3A_93 = arith.constant 0 : i32
      %jit3A_94 = arith.constant 1000000 : i32
      %max3A_95 = vector.broadcast %jit3A_93 : i32 to vector<16xi32>
      %max3A_96 = arith.maxsi %max3A_95, %select_n3A_92 : vector<16xi32>
      %min3A_97 = vector.broadcast %jit3A_94 : i32 to vector<16xi32>
      %min3A_98 = arith.minsi %min3A_97, %max3A_96 : vector<16xi32>
      %gather3A_99 = tpu.vector_load_idx %arg10[%select_n3A_85, %add3A_20] : memref<10x512xf32, #tpu.memory_space<vmem>>[vector<16xi32>, vector<16xi32>], vector<16xf32>,
      %gt3A_100 = arith.constant 1 : i32
      %gt3A_101 = vector.broadcast %gt3A_100 : i32 to vector<16xi32>
      %gt3A_102 = arith.cmpi sgt, %get3A_23, %gt3A_101 : vector<16xi32>
      %jit3A_103 = arith.constant 1.000000e+00 : f32
      %jit3A_104 = arith.constant 0.000000e+00 : f32
      %broadcast_in_dim3A_105 = vector.broadcast %jit3A_103 : f32 to vector<16xf32>
      %broadcast_in_dim3A_106 = vector.broadcast %jit3A_104 : f32 to vector<16xf32>
      %select_n3A_107 = arith.select %gt3A_102, %broadcast_in_dim3A_105, %broadcast_in_dim3A_106 : vector<16xi1>, vector<16xf32>
      %min3A_108 = arith.constant 1.000000e+00 : f32
      %min3A_109 = vector.broadcast %min3A_108 : f32 to vector<16xf32>
      %min3A_110 = arith.minimumf %gather3A_99, %min3A_109 : vector<16xf32>
      %mul3A_111 = arith.mulf %min3A_110, %select_n3A_107 : vector<16xf32>
      %mul3A_112 = arith.constant 10 : i32
      %mul3A_113 = vector.broadcast %mul3A_112 : i32 to vector<16xi32>
      %mul3A_114 = arith.muli %add3A_20, %mul3A_113 : vector<16xi32>
      %add3A_115 = arith.constant 1 : i32
      %add3A_116 = vector.broadcast %add3A_115 : i32 to vector<16xi32>
      %add3A_117 = arith.addi %mul3A_114, %add3A_116 : vector<16xi32>
      tpu.vector_store_idx %arg13[%add3A_117], %min3A_98 : memref<5120xi32, #tpu.memory_space<vmem>>[vector<16xi32>], vector<16xi32>,
      tpu.vector_store_idx %arg14[%add3A_117], %mul3A_111 : memref<5120xf32, #tpu.memory_space<vmem>>[vector<16xi32>], vector<16xf32>,
      tpu.vector_store_idx %arg15[%add3A_117], %select_n3A_107 : memref<5120xf32, #tpu.memory_space<vmem>>[vector<16xi32>], vector<16xf32>,
      %gt3A_118 = arith.constant 2 : i32
      %gt3A_119 = vector.broadcast %gt3A_118 : i32 to vector<16xi32>
      %gt3A_120 = arith.cmpi sgt, %min3A_26, %gt3A_119 : vector<16xi32>
      %sub3A_121 = arith.constant 1 : i32
      %sub3A_122 = vector.broadcast %sub3A_121 : i32 to vector<16xi32>
      %sub3A_123 = arith.subi %min3A_26, %sub3A_122 : vector<16xi32>
      %sub3A_124 = arith.constant 2 : i32
      %sub3A_125 = vector.broadcast %sub3A_124 : i32 to vector<16xi32>
      %sub3A_126 = arith.subi %sub3A_123, %sub3A_125 : vector<16xi32>
      %jit3A_127 = arith.constant 2 : i32
      %broadcast_in_dim3A_128 = vector.broadcast %jit3A_127 : i32 to vector<16xi32>
      %select_n3A_129 = arith.select %gt3A_120, %sub3A_126, %broadcast_in_dim3A_128 : vector<16xi1>, vector<16xi32>
      %gather3A_130 = tpu.vector_load_idx %arg9[%select_n3A_129, %add3A_20] : memref<10x512xi32, #tpu.memory_space<vmem>>[vector<16xi32>, vector<16xi32>], vector<16xi32>,
      %eq3A_131 = arith.constant -1 : i32
      %eq3A_132 = vector.broadcast %eq3A_131 : i32 to vector<16xi32>
      %eq3A_133 = arith.cmpi eq, %gather3A_130, %eq3A_132 : vector<16xi32>
      %jit3A_134 = arith.constant 1000000 : i32
      %broadcast_in_dim3A_135 = vector.broadcast %jit3A_134 : i32 to vector<16xi32>
      %select_n3A_136 = arith.select %eq3A_133, %broadcast_in_dim3A_135, %gather3A_130 : vector<16xi1>, vector<16xi32>
      %jit3A_137 = arith.constant 0 : i32
      %jit3A_138 = arith.constant 1000000 : i32
      %max3A_139 = vector.broadcast %jit3A_137 : i32 to vector<16xi32>
      %max3A_140 = arith.maxsi %max3A_139, %select_n3A_136 : vector<16xi32>
      %min3A_141 = vector.broadcast %jit3A_138 : i32 to vector<16xi32>
      %min3A_142 = arith.minsi %min3A_141, %max3A_140 : vector<16xi32>
      %gather3A_143 = tpu.vector_load_idx %arg10[%select_n3A_129, %add3A_20] : memref<10x512xf32, #tpu.memory_space<vmem>>[vector<16xi32>, vector<16xi32>], vector<16xf32>,
      %gt3A_144 = arith.constant 2 : i32
      %gt3A_145 = vector.broadcast %gt3A_144 : i32 to vector<16xi32>
      %gt3A_146 = arith.cmpi sgt, %get3A_23, %gt3A_145 : vector<16xi32>
      %jit3A_147 = arith.constant 1.000000e+00 : f32
      %jit3A_148 = arith.constant 0.000000e+00 : f32
      %broadcast_in_dim3A_149 = vector.broadcast %jit3A_147 : f32 to vector<16xf32>
      %broadcast_in_dim3A_150 = vector.broadcast %jit3A_148 : f32 to vector<16xf32>
      %select_n3A_151 = arith.select %gt3A_146, %broadcast_in_dim3A_149, %broadcast_in_dim3A_150 : vector<16xi1>, vector<16xf32>
      %min3A_152 = arith.constant 1.000000e+00 : f32
      %min3A_153 = vector.broadcast %min3A_152 : f32 to vector<16xf32>
      %min3A_154 = arith.minimumf %gather3A_143, %min3A_153 : vector<16xf32>
      %mul3A_155 = arith.mulf %min3A_154, %select_n3A_151 : vector<16xf32>
      %mul3A_156 = arith.constant 10 : i32
      %mul3A_157 = vector.broadcast %mul3A_156 : i32 to vector<16xi32>
      %mul3A_158 = arith.muli %add3A_20, %mul3A_157 : vector<16xi32>
      %add3A_159 = arith.constant 2 : i32
      %add3A_160 = vector.broadcast %add3A_159 : i32 to vector<16xi32>
      %add3A_161 = arith.addi %mul3A_158, %add3A_160 : vector<16xi32>
      tpu.vector_store_idx %arg13[%add3A_161], %min3A_142 : memref<5120xi32, #tpu.memory_space<vmem>>[vector<16xi32>], vector<16xi32>,
      tpu.vector_store_idx %arg14[%add3A_161], %mul3A_155 : memref<5120xf32, #tpu.memory_space<vmem>>[vector<16xi32>], vector<16xf32>,
      tpu.vector_store_idx %arg15[%add3A_161], %select_n3A_151 : memref<5120xf32, #tpu.memory_space<vmem>>[vector<16xi32>], vector<16xf32>,
      %gt3A_162 = arith.constant 3 : i32
      %gt3A_163 = vector.broadcast %gt3A_162 : i32 to vector<16xi32>
      %gt3A_164 = arith.cmpi sgt, %min3A_26, %gt3A_163 : vector<16xi32>
      %sub3A_165 = arith.constant 1 : i32
      %sub3A_166 = vector.broadcast %sub3A_165 : i32 to vector<16xi32>
      %sub3A_167 = arith.subi %min3A_26, %sub3A_166 : vector<16xi32>
      %sub3A_168 = arith.constant 3 : i32
      %sub3A_169 = vector.broadcast %sub3A_168 : i32 to vector<16xi32>
      %sub3A_170 = arith.subi %sub3A_167, %sub3A_169 : vector<16xi32>
      %jit3A_171 = arith.constant 3 : i32
      %broadcast_in_dim3A_172 = vector.broadcast %jit3A_171 : i32 to vector<16xi32>
      %select_n3A_173 = arith.select %gt3A_164, %sub3A_170, %broadcast_in_dim3A_172 : vector<16xi1>, vector<16xi32>
      %gather3A_174 = tpu.vector_load_idx %arg9[%select_n3A_173, %add3A_20] : memref<10x512xi32, #tpu.memory_space<vmem>>[vector<16xi32>, vector<16xi32>], vector<16xi32>,
      %eq3A_175 = arith.constant -1 : i32
      %eq3A_176 = vector.broadcast %eq3A_175 : i32 to vector<16xi32>
      %eq3A_177 = arith.cmpi eq, %gather3A_174, %eq3A_176 : vector<16xi32>
      %jit3A_178 = arith.constant 1000000 : i32
      %broadcast_in_dim3A_179 = vector.broadcast %jit3A_178 : i32 to vector<16xi32>
      %select_n3A_180 = arith.select %eq3A_177, %broadcast_in_dim3A_179, %gather3A_174 : vector<16xi1>, vector<16xi32>
      %jit3A_181 = arith.constant 0 : i32
      %jit3A_182 = arith.constant 1000000 : i32
      %max3A_183 = vector.broadcast %jit3A_181 : i32 to vector<16xi32>
      %max3A_184 = arith.maxsi %max3A_183, %select_n3A_180 : vector<16xi32>
      %min3A_185 = vector.broadcast %jit3A_182 : i32 to vector<16xi32>
      %min3A_186 = arith.minsi %min3A_185, %max3A_184 : vector<16xi32>
      %gather3A_187 = tpu.vector_load_idx %arg10[%select_n3A_173, %add3A_20] : memref<10x512xf32, #tpu.memory_space<vmem>>[vector<16xi32>, vector<16xi32>], vector<16xf32>,
      %gt3A_188 = arith.constant 3 : i32
      %gt3A_189 = vector.broadcast %gt3A_188 : i32 to vector<16xi32>
      %gt3A_190 = arith.cmpi sgt, %get3A_23, %gt3A_189 : vector<16xi32>
      %jit3A_191 = arith.constant 1.000000e+00 : f32
      %jit3A_192 = arith.constant 0.000000e+00 : f32
      %broadcast_in_dim3A_193 = vector.broadcast %jit3A_191 : f32 to vector<16xf32>
      %broadcast_in_dim3A_194 = vector.broadcast %jit3A_192 : f32 to vector<16xf32>
      %select_n3A_195 = arith.select %gt3A_190, %broadcast_in_dim3A_193, %broadcast_in_dim3A_194 : vector<16xi1>, vector<16xf32>
      %min3A_196 = arith.constant 1.000000e+00 : f32
      %min3A_197 = vector.broadcast %min3A_196 : f32 to vector<16xf32>
      %min3A_198 = arith.minimumf %gather3A_187, %min3A_197 : vector<16xf32>
      %mul3A_199 = arith.mulf %min3A_198, %select_n3A_195 : vector<16xf32>
      %mul3A_200 = arith.constant 10 : i32
      %mul3A_201 = vector.broadcast %mul3A_200 : i32 to vector<16xi32>
      %mul3A_202 = arith.muli %add3A_20, %mul3A_201 : vector<16xi32>
      %add3A_203 = arith.constant 3 : i32
      %add3A_204 = vector.broadcast %add3A_203 : i32 to vector<16xi32>
      %add3A_205 = arith.addi %mul3A_202, %add3A_204 : vector<16xi32>
      tpu.vector_store_idx %arg13[%add3A_205], %min3A_186 : memref<5120xi32, #tpu.memory_space<vmem>>[vector<16xi32>], vector<16xi32>,
      tpu.vector_store_idx %arg14[%add3A_205], %mul3A_199 : memref<5120xf32, #tpu.memory_space<vmem>>[vector<16xi32>], vector<16xf32>,
      tpu.vector_store_idx %arg15[%add3A_205], %select_n3A_195 : memref<5120xf32, #tpu.memory_space<vmem>>[vector<16xi32>], vector<16xf32>,
      %gt3A_206 = arith.constant 4 : i32
      %gt3A_207 = vector.broadcast %gt3A_206 : i32 to vector<16xi32>
      %gt3A_208 = arith.cmpi sgt, %min3A_26, %gt3A_207 : vector<16xi32>
      %sub3A_209 = arith.constant 1 : i32
      %sub3A_210 = vector.broadcast %sub3A_209 : i32 to vector<16xi32>
      %sub3A_211 = arith.subi %min3A_26, %sub3A_210 : vector<16xi32>
      %sub3A_212 = arith.constant 4 : i32
      %sub3A_213 = vector.broadcast %sub3A_212 : i32 to vector<16xi32>
      %sub3A_214 = arith.subi %sub3A_211, %sub3A_213 : vector<16xi32>
      %jit3A_215 = arith.constant 4 : i32
      %broadcast_in_dim3A_216 = vector.broadcast %jit3A_215 : i32 to vector<16xi32>
      %select_n3A_217 = arith.select %gt3A_208, %sub3A_214, %broadcast_in_dim3A_216 : vector<16xi1>, vector<16xi32>
      %gather3A_218 = tpu.vector_load_idx %arg9[%select_n3A_217, %add3A_20] : memref<10x512xi32, #tpu.memory_space<vmem>>[vector<16xi32>, vector<16xi32>], vector<16xi32>,
      %eq3A_219 = arith.constant -1 : i32
      %eq3A_220 = vector.broadcast %eq3A_219 : i32 to vector<16xi32>
      %eq3A_221 = arith.cmpi eq, %gather3A_218, %eq3A_220 : vector<16xi32>
      %jit3A_222 = arith.constant 1000000 : i32
      %broadcast_in_dim3A_223 = vector.broadcast %jit3A_222 : i32 to vector<16xi32>
      %select_n3A_224 = arith.select %eq3A_221, %broadcast_in_dim3A_223, %gather3A_218 : vector<16xi1>, vector<16xi32>
      %jit3A_225 = arith.constant 0 : i32
      %jit3A_226 = arith.constant 1000000 : i32
      %max3A_227 = vector.broadcast %jit3A_225 : i32 to vector<16xi32>
      %max3A_228 = arith.maxsi %max3A_227, %select_n3A_224 : vector<16xi32>
      %min3A_229 = vector.broadcast %jit3A_226 : i32 to vector<16xi32>
      %min3A_230 = arith.minsi %min3A_229, %max3A_228 : vector<16xi32>
      %gather3A_231 = tpu.vector_load_idx %arg10[%select_n3A_217, %add3A_20] : memref<10x512xf32, #tpu.memory_space<vmem>>[vector<16xi32>, vector<16xi32>], vector<16xf32>,
      %gt3A_232 = arith.constant 4 : i32
      %gt3A_233 = vector.broadcast %gt3A_232 : i32 to vector<16xi32>
      %gt3A_234 = arith.cmpi sgt, %get3A_23, %gt3A_233 : vector<16xi32>
      %jit3A_235 = arith.constant 1.000000e+00 : f32
      %jit3A_236 = arith.constant 0.000000e+00 : f32
      %broadcast_in_dim3A_237 = vector.broadcast %jit3A_235 : f32 to vector<16xf32>
      %broadcast_in_dim3A_238 = vector.broadcast %jit3A_236 : f32 to vector<16xf32>
      %select_n3A_239 = arith.select %gt3A_234, %broadcast_in_dim3A_237, %broadcast_in_dim3A_238 : vector<16xi1>, vector<16xf32>
      %min3A_240 = arith.constant 1.000000e+00 : f32
      %min3A_241 = vector.broadcast %min3A_240 : f32 to vector<16xf32>
      %min3A_242 = arith.minimumf %gather3A_231, %min3A_241 : vector<16xf32>
      %mul3A_243 = arith.mulf %min3A_242, %select_n3A_239 : vector<16xf32>
      %mul3A_244 = arith.constant 10 : i32
      %mul3A_245 = vector.broadcast %mul3A_244 : i32 to vector<16xi32>
      %mul3A_246 = arith.muli %add3A_20, %mul3A_245 : vector<16xi32>
      %add3A_247 = arith.constant 4 : i32
      %add3A_248 = vector.broadcast %add3A_247 : i32 to vector<16xi32>
      %add3A_249 = arith.addi %mul3A_246, %add3A_248 : vector<16xi32>
      tpu.vector_store_idx %arg13[%add3A_249], %min3A_230 : memref<5120xi32, #tpu.memory_space<vmem>>[vector<16xi32>], vector<16xi32>,
      tpu.vector_store_idx %arg14[%add3A_249], %mul3A_243 : memref<5120xf32, #tpu.memory_space<vmem>>[vector<16xi32>], vector<16xf32>,
      tpu.vector_store_idx %arg15[%add3A_249], %select_n3A_239 : memref<5120xf32, #tpu.memory_space<vmem>>[vector<16xi32>], vector<16xf32>,
      %gt3A_250 = arith.constant 5 : i32
      %gt3A_251 = vector.broadcast %gt3A_250 : i32 to vector<16xi32>
      %gt3A_252 = arith.cmpi sgt, %min3A_26, %gt3A_251 : vector<16xi32>
      %sub3A_253 = arith.constant 1 : i32
      %sub3A_254 = vector.broadcast %sub3A_253 : i32 to vector<16xi32>
      %sub3A_255 = arith.subi %min3A_26, %sub3A_254 : vector<16xi32>
      %sub3A_256 = arith.constant 5 : i32
      %sub3A_257 = vector.broadcast %sub3A_256 : i32 to vector<16xi32>
      %sub3A_258 = arith.subi %sub3A_255, %sub3A_257 : vector<16xi32>
      %jit3A_259 = arith.constant 5 : i32
      %broadcast_in_dim3A_260 = vector.broadcast %jit3A_259 : i32 to vector<16xi32>
      %select_n3A_261 = arith.select %gt3A_252, %sub3A_258, %broadcast_in_dim3A_260 : vector<16xi1>, vector<16xi32>
      %gather3A_262 = tpu.vector_load_idx %arg9[%select_n3A_261, %add3A_20] : memref<10x512xi32, #tpu.memory_space<vmem>>[vector<16xi32>, vector<16xi32>], vector<16xi32>,
      %eq3A_263 = arith.constant -1 : i32
      %eq3A_264 = vector.broadcast %eq3A_263 : i32 to vector<16xi32>
      %eq3A_265 = arith.cmpi eq, %gather3A_262, %eq3A_264 : vector<16xi32>
      %jit3A_266 = arith.constant 1000000 : i32
      %broadcast_in_dim3A_267 = vector.broadcast %jit3A_266 : i32 to vector<16xi32>
      %select_n3A_268 = arith.select %eq3A_265, %broadcast_in_dim3A_267, %gather3A_262 : vector<16xi1>, vector<16xi32>
      %jit3A_269 = arith.constant 0 : i32
      %jit3A_270 = arith.constant 1000000 : i32
      %max3A_271 = vector.broadcast %jit3A_269 : i32 to vector<16xi32>
      %max3A_272 = arith.maxsi %max3A_271, %select_n3A_268 : vector<16xi32>
      %min3A_273 = vector.broadcast %jit3A_270 : i32 to vector<16xi32>
      %min3A_274 = arith.minsi %min3A_273, %max3A_272 : vector<16xi32>
      %gather3A_275 = tpu.vector_load_idx %arg10[%select_n3A_261, %add3A_20] : memref<10x512xf32, #tpu.memory_space<vmem>>[vector<16xi32>, vector<16xi32>], vector<16xf32>,
      %gt3A_276 = arith.constant 5 : i32
      %gt3A_277 = vector.broadcast %gt3A_276 : i32 to vector<16xi32>
      %gt3A_278 = arith.cmpi sgt, %get3A_23, %gt3A_277 : vector<16xi32>
      %jit3A_279 = arith.constant 1.000000e+00 : f32
      %jit3A_280 = arith.constant 0.000000e+00 : f32
      %broadcast_in_dim3A_281 = vector.broadcast %jit3A_279 : f32 to vector<16xf32>
      %broadcast_in_dim3A_282 = vector.broadcast %jit3A_280 : f32 to vector<16xf32>
      %select_n3A_283 = arith.select %gt3A_278, %broadcast_in_dim3A_281, %broadcast_in_dim3A_282 : vector<16xi1>, vector<16xf32>
      %min3A_284 = arith.constant 1.000000e+00 : f32
      %min3A_285 = vector.broadcast %min3A_284 : f32 to vector<16xf32>
      %min3A_286 = arith.minimumf %gather3A_275, %min3A_285 : vector<16xf32>
      %mul3A_287 = arith.mulf %min3A_286, %select_n3A_283 : vector<16xf32>
      %mul3A_288 = arith.constant 10 : i32
      %mul3A_289 = vector.broadcast %mul3A_288 : i32 to vector<16xi32>
      %mul3A_290 = arith.muli %add3A_20, %mul3A_289 : vector<16xi32>
      %add3A_291 = arith.constant 5 : i32
      %add3A_292 = vector.broadcast %add3A_291 : i32 to vector<16xi32>
      %add3A_293 = arith.addi %mul3A_290, %add3A_292 : vector<16xi32>
      tpu.vector_store_idx %arg13[%add3A_293], %min3A_274 : memref<5120xi32, #tpu.memory_space<vmem>>[vector<16xi32>], vector<16xi32>,
      tpu.vector_store_idx %arg14[%add3A_293], %mul3A_287 : memref<5120xf32, #tpu.memory_space<vmem>>[vector<16xi32>], vector<16xf32>,
      tpu.vector_store_idx %arg15[%add3A_293], %select_n3A_283 : memref<5120xf32, #tpu.memory_space<vmem>>[vector<16xi32>], vector<16xf32>,
      %gt3A_294 = arith.constant 6 : i32
      %gt3A_295 = vector.broadcast %gt3A_294 : i32 to vector<16xi32>
      %gt3A_296 = arith.cmpi sgt, %min3A_26, %gt3A_295 : vector<16xi32>
      %sub3A_297 = arith.constant 1 : i32
      %sub3A_298 = vector.broadcast %sub3A_297 : i32 to vector<16xi32>
      %sub3A_299 = arith.subi %min3A_26, %sub3A_298 : vector<16xi32>
      %sub3A_300 = arith.constant 6 : i32
      %sub3A_301 = vector.broadcast %sub3A_300 : i32 to vector<16xi32>
      %sub3A_302 = arith.subi %sub3A_299, %sub3A_301 : vector<16xi32>
      %jit3A_303 = arith.constant 6 : i32
      %broadcast_in_dim3A_304 = vector.broadcast %jit3A_303 : i32 to vector<16xi32>
      %select_n3A_305 = arith.select %gt3A_296, %sub3A_302, %broadcast_in_dim3A_304 : vector<16xi1>, vector<16xi32>
      %gather3A_306 = tpu.vector_load_idx %arg9[%select_n3A_305, %add3A_20] : memref<10x512xi32, #tpu.memory_space<vmem>>[vector<16xi32>, vector<16xi32>], vector<16xi32>,
      %eq3A_307 = arith.constant -1 : i32
      %eq3A_308 = vector.broadcast %eq3A_307 : i32 to vector<16xi32>
      %eq3A_309 = arith.cmpi eq, %gather3A_306, %eq3A_308 : vector<16xi32>
      %jit3A_310 = arith.constant 1000000 : i32
      %broadcast_in_dim3A_311 = vector.broadcast %jit3A_310 : i32 to vector<16xi32>
      %select_n3A_312 = arith.select %eq3A_309, %broadcast_in_dim3A_311, %gather3A_306 : vector<16xi1>, vector<16xi32>
      %jit3A_313 = arith.constant 0 : i32
      %jit3A_314 = arith.constant 1000000 : i32
      %max3A_315 = vector.broadcast %jit3A_313 : i32 to vector<16xi32>
      %max3A_316 = arith.maxsi %max3A_315, %select_n3A_312 : vector<16xi32>
      %min3A_317 = vector.broadcast %jit3A_314 : i32 to vector<16xi32>
      %min3A_318 = arith.minsi %min3A_317, %max3A_316 : vector<16xi32>
      %gather3A_319 = tpu.vector_load_idx %arg10[%select_n3A_305, %add3A_20] : memref<10x512xf32, #tpu.memory_space<vmem>>[vector<16xi32>, vector<16xi32>], vector<16xf32>,
      %gt3A_320 = arith.constant 6 : i32
      %gt3A_321 = vector.broadcast %gt3A_320 : i32 to vector<16xi32>
      %gt3A_322 = arith.cmpi sgt, %get3A_23, %gt3A_321 : vector<16xi32>
      %jit3A_323 = arith.constant 1.000000e+00 : f32
      %jit3A_324 = arith.constant 0.000000e+00 : f32
      %broadcast_in_dim3A_325 = vector.broadcast %jit3A_323 : f32 to vector<16xf32>
      %broadcast_in_dim3A_326 = vector.broadcast %jit3A_324 : f32 to vector<16xf32>
      %select_n3A_327 = arith.select %gt3A_322, %broadcast_in_dim3A_325, %broadcast_in_dim3A_326 : vector<16xi1>, vector<16xf32>
      %min3A_328 = arith.constant 1.000000e+00 : f32
      %min3A_329 = vector.broadcast %min3A_328 : f32 to vector<16xf32>
      %min3A_330 = arith.minimumf %gather3A_319, %min3A_329 : vector<16xf32>
      %mul3A_331 = arith.mulf %min3A_330, %select_n3A_327 : vector<16xf32>
      %mul3A_332 = arith.constant 10 : i32
      %mul3A_333 = vector.broadcast %mul3A_332 : i32 to vector<16xi32>
      %mul3A_334 = arith.muli %add3A_20, %mul3A_333 : vector<16xi32>
      %add3A_335 = arith.constant 6 : i32
      %add3A_336 = vector.broadcast %add3A_335 : i32 to vector<16xi32>
      %add3A_337 = arith.addi %mul3A_334, %add3A_336 : vector<16xi32>
      tpu.vector_store_idx %arg13[%add3A_337], %min3A_318 : memref<5120xi32, #tpu.memory_space<vmem>>[vector<16xi32>], vector<16xi32>,
      tpu.vector_store_idx %arg14[%add3A_337], %mul3A_331 : memref<5120xf32, #tpu.memory_space<vmem>>[vector<16xi32>], vector<16xf32>,
      tpu.vector_store_idx %arg15[%add3A_337], %select_n3A_327 : memref<5120xf32, #tpu.memory_space<vmem>>[vector<16xi32>], vector<16xf32>,
      %gt3A_338 = arith.constant 7 : i32
      %gt3A_339 = vector.broadcast %gt3A_338 : i32 to vector<16xi32>
      %gt3A_340 = arith.cmpi sgt, %min3A_26, %gt3A_339 : vector<16xi32>
      %sub3A_341 = arith.constant 1 : i32
      %sub3A_342 = vector.broadcast %sub3A_341 : i32 to vector<16xi32>
      %sub3A_343 = arith.subi %min3A_26, %sub3A_342 : vector<16xi32>
      %sub3A_344 = arith.constant 7 : i32
      %sub3A_345 = vector.broadcast %sub3A_344 : i32 to vector<16xi32>
      %sub3A_346 = arith.subi %sub3A_343, %sub3A_345 : vector<16xi32>
      %jit3A_347 = arith.constant 7 : i32
      %broadcast_in_dim3A_348 = vector.broadcast %jit3A_347 : i32 to vector<16xi32>
      %select_n3A_349 = arith.select %gt3A_340, %sub3A_346, %broadcast_in_dim3A_348 : vector<16xi1>, vector<16xi32>
      %gather3A_350 = tpu.vector_load_idx %arg9[%select_n3A_349, %add3A_20] : memref<10x512xi32, #tpu.memory_space<vmem>>[vector<16xi32>, vector<16xi32>], vector<16xi32>,
      %eq3A_351 = arith.constant -1 : i32
      %eq3A_352 = vector.broadcast %eq3A_351 : i32 to vector<16xi32>
      %eq3A_353 = arith.cmpi eq, %gather3A_350, %eq3A_352 : vector<16xi32>
      %jit3A_354 = arith.constant 1000000 : i32
      %broadcast_in_dim3A_355 = vector.broadcast %jit3A_354 : i32 to vector<16xi32>
      %select_n3A_356 = arith.select %eq3A_353, %broadcast_in_dim3A_355, %gather3A_350 : vector<16xi1>, vector<16xi32>
      %jit3A_357 = arith.constant 0 : i32
      %jit3A_358 = arith.constant 1000000 : i32
      %max3A_359 = vector.broadcast %jit3A_357 : i32 to vector<16xi32>
      %max3A_360 = arith.maxsi %max3A_359, %select_n3A_356 : vector<16xi32>
      %min3A_361 = vector.broadcast %jit3A_358 : i32 to vector<16xi32>
      %min3A_362 = arith.minsi %min3A_361, %max3A_360 : vector<16xi32>
      %gather3A_363 = tpu.vector_load_idx %arg10[%select_n3A_349, %add3A_20] : memref<10x512xf32, #tpu.memory_space<vmem>>[vector<16xi32>, vector<16xi32>], vector<16xf32>,
      %gt3A_364 = arith.constant 7 : i32
      %gt3A_365 = vector.broadcast %gt3A_364 : i32 to vector<16xi32>
      %gt3A_366 = arith.cmpi sgt, %get3A_23, %gt3A_365 : vector<16xi32>
      %jit3A_367 = arith.constant 1.000000e+00 : f32
      %jit3A_368 = arith.constant 0.000000e+00 : f32
      %broadcast_in_dim3A_369 = vector.broadcast %jit3A_367 : f32 to vector<16xf32>
      %broadcast_in_dim3A_370 = vector.broadcast %jit3A_368 : f32 to vector<16xf32>
      %select_n3A_371 = arith.select %gt3A_366, %broadcast_in_dim3A_369, %broadcast_in_dim3A_370 : vector<16xi1>, vector<16xf32>
      %min3A_372 = arith.constant 1.000000e+00 : f32
      %min3A_373 = vector.broadcast %min3A_372 : f32 to vector<16xf32>
      %min3A_374 = arith.minimumf %gather3A_363, %min3A_373 : vector<16xf32>
      %mul3A_375 = arith.mulf %min3A_374, %select_n3A_371 : vector<16xf32>
      %mul3A_376 = arith.constant 10 : i32
      %mul3A_377 = vector.broadcast %mul3A_376 : i32 to vector<16xi32>
      %mul3A_378 = arith.muli %add3A_20, %mul3A_377 : vector<16xi32>
      %add3A_379 = arith.constant 7 : i32
      %add3A_380 = vector.broadcast %add3A_379 : i32 to vector<16xi32>
      %add3A_381 = arith.addi %mul3A_378, %add3A_380 : vector<16xi32>
      tpu.vector_store_idx %arg13[%add3A_381], %min3A_362 : memref<5120xi32, #tpu.memory_space<vmem>>[vector<16xi32>], vector<16xi32>,
      tpu.vector_store_idx %arg14[%add3A_381], %mul3A_375 : memref<5120xf32, #tpu.memory_space<vmem>>[vector<16xi32>], vector<16xf32>,
      tpu.vector_store_idx %arg15[%add3A_381], %select_n3A_371 : memref<5120xf32, #tpu.memory_space<vmem>>[vector<16xi32>], vector<16xf32>,
      %gt3A_382 = arith.constant 8 : i32
      %gt3A_383 = vector.broadcast %gt3A_382 : i32 to vector<16xi32>
      %gt3A_384 = arith.cmpi sgt, %min3A_26, %gt3A_383 : vector<16xi32>
      %sub3A_385 = arith.constant 1 : i32
      %sub3A_386 = vector.broadcast %sub3A_385 : i32 to vector<16xi32>
      %sub3A_387 = arith.subi %min3A_26, %sub3A_386 : vector<16xi32>
      %sub3A_388 = arith.constant 8 : i32
      %sub3A_389 = vector.broadcast %sub3A_388 : i32 to vector<16xi32>
      %sub3A_390 = arith.subi %sub3A_387, %sub3A_389 : vector<16xi32>
      %jit3A_391 = arith.constant 8 : i32
      %broadcast_in_dim3A_392 = vector.broadcast %jit3A_391 : i32 to vector<16xi32>
      %select_n3A_393 = arith.select %gt3A_384, %sub3A_390, %broadcast_in_dim3A_392 : vector<16xi1>, vector<16xi32>
      %gather3A_394 = tpu.vector_load_idx %arg9[%select_n3A_393, %add3A_20] : memref<10x512xi32, #tpu.memory_space<vmem>>[vector<16xi32>, vector<16xi32>], vector<16xi32>,
      %eq3A_395 = arith.constant -1 : i32
      %eq3A_396 = vector.broadcast %eq3A_395 : i32 to vector<16xi32>
      %eq3A_397 = arith.cmpi eq, %gather3A_394, %eq3A_396 : vector<16xi32>
      %jit3A_398 = arith.constant 1000000 : i32
      %broadcast_in_dim3A_399 = vector.broadcast %jit3A_398 : i32 to vector<16xi32>
      %select_n3A_400 = arith.select %eq3A_397, %broadcast_in_dim3A_399, %gather3A_394 : vector<16xi1>, vector<16xi32>
      %jit3A_401 = arith.constant 0 : i32
      %jit3A_402 = arith.constant 1000000 : i32
      %max3A_403 = vector.broadcast %jit3A_401 : i32 to vector<16xi32>
      %max3A_404 = arith.maxsi %max3A_403, %select_n3A_400 : vector<16xi32>
      %min3A_405 = vector.broadcast %jit3A_402 : i32 to vector<16xi32>
      %min3A_406 = arith.minsi %min3A_405, %max3A_404 : vector<16xi32>
      %gather3A_407 = tpu.vector_load_idx %arg10[%select_n3A_393, %add3A_20] : memref<10x512xf32, #tpu.memory_space<vmem>>[vector<16xi32>, vector<16xi32>], vector<16xf32>,
      %gt3A_408 = arith.constant 8 : i32
      %gt3A_409 = vector.broadcast %gt3A_408 : i32 to vector<16xi32>
      %gt3A_410 = arith.cmpi sgt, %get3A_23, %gt3A_409 : vector<16xi32>
      %jit3A_411 = arith.constant 1.000000e+00 : f32
      %jit3A_412 = arith.constant 0.000000e+00 : f32
      %broadcast_in_dim3A_413 = vector.broadcast %jit3A_411 : f32 to vector<16xf32>
      %broadcast_in_dim3A_414 = vector.broadcast %jit3A_412 : f32 to vector<16xf32>
      %select_n3A_415 = arith.select %gt3A_410, %broadcast_in_dim3A_413, %broadcast_in_dim3A_414 : vector<16xi1>, vector<16xf32>
      %min3A_416 = arith.constant 1.000000e+00 : f32
      %min3A_417 = vector.broadcast %min3A_416 : f32 to vector<16xf32>
      %min3A_418 = arith.minimumf %gather3A_407, %min3A_417 : vector<16xf32>
      %mul3A_419 = arith.mulf %min3A_418, %select_n3A_415 : vector<16xf32>
      %mul3A_420 = arith.constant 10 : i32
      %mul3A_421 = vector.broadcast %mul3A_420 : i32 to vector<16xi32>
      %mul3A_422 = arith.muli %add3A_20, %mul3A_421 : vector<16xi32>
      %add3A_423 = arith.constant 8 : i32
      %add3A_424 = vector.broadcast %add3A_423 : i32 to vector<16xi32>
      %add3A_425 = arith.addi %mul3A_422, %add3A_424 : vector<16xi32>
      tpu.vector_store_idx %arg13[%add3A_425], %min3A_406 : memref<5120xi32, #tpu.memory_space<vmem>>[vector<16xi32>], vector<16xi32>,
      tpu.vector_store_idx %arg14[%add3A_425], %mul3A_419 : memref<5120xf32, #tpu.memory_space<vmem>>[vector<16xi32>], vector<16xf32>,
      tpu.vector_store_idx %arg15[%add3A_425], %select_n3A_415 : memref<5120xf32, #tpu.memory_space<vmem>>[vector<16xi32>], vector<16xf32>,
      %gt3A_426 = arith.constant 9 : i32
      %gt3A_427 = vector.broadcast %gt3A_426 : i32 to vector<16xi32>
      %gt3A_428 = arith.cmpi sgt, %min3A_26, %gt3A_427 : vector<16xi32>
      %sub3A_429 = arith.constant 1 : i32
      %sub3A_430 = vector.broadcast %sub3A_429 : i32 to vector<16xi32>
      %sub3A_431 = arith.subi %min3A_26, %sub3A_430 : vector<16xi32>
      %sub3A_432 = arith.constant 9 : i32
      %sub3A_433 = vector.broadcast %sub3A_432 : i32 to vector<16xi32>
      %sub3A_434 = arith.subi %sub3A_431, %sub3A_433 : vector<16xi32>
      %jit3A_435 = arith.constant 9 : i32
      %broadcast_in_dim3A_436 = vector.broadcast %jit3A_435 : i32 to vector<16xi32>
      %select_n3A_437 = arith.select %gt3A_428, %sub3A_434, %broadcast_in_dim3A_436 : vector<16xi1>, vector<16xi32>
      %gather3A_438 = tpu.vector_load_idx %arg9[%select_n3A_437, %add3A_20] : memref<10x512xi32, #tpu.memory_space<vmem>>[vector<16xi32>, vector<16xi32>], vector<16xi32>,
      %eq3A_439 = arith.constant -1 : i32
      %eq3A_440 = vector.broadcast %eq3A_439 : i32 to vector<16xi32>
      %eq3A_441 = arith.cmpi eq, %gather3A_438, %eq3A_440 : vector<16xi32>
      %jit3A_442 = arith.constant 1000000 : i32
      %broadcast_in_dim3A_443 = vector.broadcast %jit3A_442 : i32 to vector<16xi32>
      %select_n3A_444 = arith.select %eq3A_441, %broadcast_in_dim3A_443, %gather3A_438 : vector<16xi1>, vector<16xi32>
      %jit3A_445 = arith.constant 0 : i32
      %jit3A_446 = arith.constant 1000000 : i32
      %max3A_447 = vector.broadcast %jit3A_445 : i32 to vector<16xi32>
      %max3A_448 = arith.maxsi %max3A_447, %select_n3A_444 : vector<16xi32>
      %min3A_449 = vector.broadcast %jit3A_446 : i32 to vector<16xi32>
      %min3A_450 = arith.minsi %min3A_449, %max3A_448 : vector<16xi32>
      %gather3A_451 = tpu.vector_load_idx %arg10[%select_n3A_437, %add3A_20] : memref<10x512xf32, #tpu.memory_space<vmem>>[vector<16xi32>, vector<16xi32>], vector<16xf32>,
      %gt3A_452 = arith.constant 9 : i32
      %gt3A_453 = vector.broadcast %gt3A_452 : i32 to vector<16xi32>
      %gt3A_454 = arith.cmpi sgt, %get3A_23, %gt3A_453 : vector<16xi32>
      %jit3A_455 = arith.constant 1.000000e+00 : f32
      %jit3A_456 = arith.constant 0.000000e+00 : f32
      %broadcast_in_dim3A_457 = vector.broadcast %jit3A_455 : f32 to vector<16xf32>
      %broadcast_in_dim3A_458 = vector.broadcast %jit3A_456 : f32 to vector<16xf32>
      %select_n3A_459 = arith.select %gt3A_454, %broadcast_in_dim3A_457, %broadcast_in_dim3A_458 : vector<16xi1>, vector<16xf32>
      %min3A_460 = arith.constant 1.000000e+00 : f32
      %min3A_461 = vector.broadcast %min3A_460 : f32 to vector<16xf32>
      %min3A_462 = arith.minimumf %gather3A_451, %min3A_461 : vector<16xf32>
      %mul3A_463 = arith.mulf %min3A_462, %select_n3A_459 : vector<16xf32>
      %mul3A_464 = arith.constant 10 : i32
      %mul3A_465 = vector.broadcast %mul3A_464 : i32 to vector<16xi32>
      %mul3A_466 = arith.muli %add3A_20, %mul3A_465 : vector<16xi32>
      %add3A_467 = arith.constant 9 : i32
      %add3A_468 = vector.broadcast %add3A_467 : i32 to vector<16xi32>
      %add3A_469 = arith.addi %mul3A_466, %add3A_468 : vector<16xi32>
      tpu.vector_store_idx %arg13[%add3A_469], %min3A_450 : memref<5120xi32, #tpu.memory_space<vmem>>[vector<16xi32>], vector<16xi32>,
      tpu.vector_store_idx %arg14[%add3A_469], %mul3A_463 : memref<5120xf32, #tpu.memory_space<vmem>>[vector<16xi32>], vector<16xf32>,
      tpu.vector_store_idx %arg15[%add3A_469], %select_n3A_459 : memref<5120xf32, #tpu.memory_space<vmem>>[vector<16xi32>], vector<16xf32>,
    }
    %scan3A_9 = arith.constant 32 : i32
    "tpu.region"() ({
      %run_scoped3A = tpu.sem_alloc : memref<!tpu.dma_semaphore, #tpu.memory_space<semaphore_mem>>
      %dma_start3A = tpu.memref_slice %arg7[%mul3A_4] : memref<163840xf32, #tpu.memory_space<hbm>> -> memref<5120xf32, #tpu.memory_space<hbm>>
      %dma_start3A_16 = tpu.memref_slice %arg7[%mul3A_4] : memref<163840xf32, #tpu.memory_space<hbm>> -> memref<5120xf32, #tpu.memory_space<hbm>>
      tpu.enqueue_dma source(%arg15 : memref<5120xf32, #tpu.memory_space<vmem>>) target(%dma_start3A_16 : memref<5120xf32, #tpu.memory_space<hbm>>) target_semaphore(%run_scoped3A : memref<!tpu.dma_semaphore, #tpu.memory_space<semaphore_mem>>)
      %dma_wait3A = tpu.memref_slice %arg7[%mul3A_4] : memref<163840xf32, #tpu.memory_space<hbm>> -> memref<5120xf32, #tpu.memory_space<hbm>>
      %dma_wait3A_17 = tpu.memref_slice %arg7[%mul3A_4] : memref<163840xf32, #tpu.memory_space<hbm>> -> memref<5120xf32, #tpu.memory_space<hbm>>
      tpu.wait_dma2 semaphore(%run_scoped3A : memref<!tpu.dma_semaphore, #tpu.memory_space<semaphore_mem>>) src(%arg15 : memref<5120xf32, #tpu.memory_space<vmem>>) dst(%dma_wait3A_17 : memref<5120xf32, #tpu.memory_space<hbm>>)
      tpu.yield
    }) : () -> ()
    "tpu.region"() ({
      %run_scoped3A = tpu.sem_alloc : memref<!tpu.dma_semaphore, #tpu.memory_space<semaphore_mem>>
      %dma_start3A = tpu.memref_slice %arg8[%mul3A_2] : memref<16384xi32, #tpu.memory_space<hbm>> -> memref<512xi32, #tpu.memory_space<hbm>>
      %dma_start3A_16 = tpu.memref_slice %arg8[%mul3A_2] : memref<16384xi32, #tpu.memory_space<hbm>> -> memref<512xi32, #tpu.memory_space<hbm>>
      tpu.enqueue_dma source(%arg12 : memref<512xi32, #tpu.memory_space<vmem>>) target(%dma_start3A_16 : memref<512xi32, #tpu.memory_space<hbm>>) target_semaphore(%run_scoped3A : memref<!tpu.dma_semaphore, #tpu.memory_space<semaphore_mem>>)
      %dma_wait3A = tpu.memref_slice %arg8[%mul3A_2] : memref<16384xi32, #tpu.memory_space<hbm>> -> memref<512xi32, #tpu.memory_space<hbm>>
      %dma_wait3A_17 = tpu.memref_slice %arg8[%mul3A_2] : memref<16384xi32, #tpu.memory_space<hbm>> -> memref<512xi32, #tpu.memory_space<hbm>>
      tpu.wait_dma2 semaphore(%run_scoped3A : memref<!tpu.dma_semaphore, #tpu.memory_space<semaphore_mem>>) src(%arg12 : memref<512xi32, #tpu.memory_space<vmem>>) dst(%dma_wait3A_17 : memref<512xi32, #tpu.memory_space<hbm>>)
      tpu.yield
    }) : () -> ()
    %scan3A_10 = arith.constant 0 : i32
    %scan3A_11 = arith.constant 0 : i32
    %scan3A_12 = arith.constant 10 : i32
    %scan3A_13 = arith.addi %scan3A_11, %scan3A_12 : i32
    %scan3A_14 = arith.constant 1 : i32
    scf.for %scan3A_16 = %scan3A_11 to %scan3A_13 step %scan3A_14  : i32 {
      %mul3A_17 = arith.constant 512 : i32
      %mul3A_18 = arith.muli %scan3A_16, %mul3A_17 : i32
      %add3A_19 = arith.constant 0 : i32
      %add3A_20 = arith.addi %mul3A_18, %add3A_19 : i32
      %dma_start3A = arith.constant 0 : i32
      %dma_start3A_21 = arith.constant 0 : i32
      %dma_start3A_22 = tpu.memref_slice %arg16[%dma_start3A, %dma_start3A_21] : memref<512x32xf32, #tpu.memory_space<vmem>> -> memref<128x32xf32, #tpu.memory_space<vmem>>
      %dma_start3A_23 = tpu.memref_slice %arg13[%add3A_20] : memref<5120xi32, #tpu.memory_space<vmem>> -> memref<128xi32, #tpu.memory_space<vmem>>
      %dma_start3A_24 = arith.constant 0 : i32
      %dma_start3A_25 = arith.constant 0 : i32
      %dma_start3A_26 = tpu.memref_slice %arg2[%dma_start3A_24, %dma_start3A_25] : memref<1000001x32xf32, #tpu.memory_space<hbm>> -> memref<1000001x32xf32, #tpu.memory_space<hbm>>
      tpu.enqueue_indirect_dma source(%dma_start3A_26 : memref<1000001x32xf32, #tpu.memory_space<hbm>>) target(%dma_start3A_22 : memref<128x32xf32, #tpu.memory_space<vmem>>) offsets(%dma_start3A_23 : memref<128xi32, #tpu.memory_space<vmem>>) semaphore(%arg17 : memref<!tpu.dma_semaphore, #tpu.memory_space<semaphore_mem>>)
      %add3A_27 = arith.constant 128 : i32
      %add3A_28 = arith.addi %mul3A_18, %add3A_27 : i32
      %dma_start3A_29 = arith.constant 128 : i32
      %dma_start3A_30 = arith.constant 0 : i32
      %dma_start3A_31 = tpu.memref_slice %arg16[%dma_start3A_29, %dma_start3A_30] : memref<512x32xf32, #tpu.memory_space<vmem>> -> memref<128x32xf32, #tpu.memory_space<vmem>>
      %dma_start3A_32 = tpu.memref_slice %arg13[%add3A_28] : memref<5120xi32, #tpu.memory_space<vmem>> -> memref<128xi32, #tpu.memory_space<vmem>>
      %dma_start3A_33 = arith.constant 0 : i32
      %dma_start3A_34 = arith.constant 0 : i32
      %dma_start3A_35 = tpu.memref_slice %arg2[%dma_start3A_33, %dma_start3A_34] : memref<1000001x32xf32, #tpu.memory_space<hbm>> -> memref<1000001x32xf32, #tpu.memory_space<hbm>>
      tpu.enqueue_indirect_dma source(%dma_start3A_35 : memref<1000001x32xf32, #tpu.memory_space<hbm>>) target(%dma_start3A_31 : memref<128x32xf32, #tpu.memory_space<vmem>>) offsets(%dma_start3A_32 : memref<128xi32, #tpu.memory_space<vmem>>) semaphore(%arg17 : memref<!tpu.dma_semaphore, #tpu.memory_space<semaphore_mem>>)
      %add3A_36 = arith.constant 256 : i32
      %add3A_37 = arith.addi %mul3A_18, %add3A_36 : i32
      %dma_start3A_38 = arith.constant 256 : i32
      %dma_start3A_39 = arith.constant 0 : i32
      %dma_start3A_40 = tpu.memref_slice %arg16[%dma_start3A_38, %dma_start3A_39] : memref<512x32xf32, #tpu.memory_space<vmem>> -> memref<128x32xf32, #tpu.memory_space<vmem>>
      %dma_start3A_41 = tpu.memref_slice %arg13[%add3A_37] : memref<5120xi32, #tpu.memory_space<vmem>> -> memref<128xi32, #tpu.memory_space<vmem>>
      %dma_start3A_42 = arith.constant 0 : i32
      %dma_start3A_43 = arith.constant 0 : i32
      %dma_start3A_44 = tpu.memref_slice %arg2[%dma_start3A_42, %dma_start3A_43] : memref<1000001x32xf32, #tpu.memory_space<hbm>> -> memref<1000001x32xf32, #tpu.memory_space<hbm>>
      tpu.enqueue_indirect_dma source(%dma_start3A_44 : memref<1000001x32xf32, #tpu.memory_space<hbm>>) target(%dma_start3A_40 : memref<128x32xf32, #tpu.memory_space<vmem>>) offsets(%dma_start3A_41 : memref<128xi32, #tpu.memory_space<vmem>>) semaphore(%arg17 : memref<!tpu.dma_semaphore, #tpu.memory_space<semaphore_mem>>)
      %add3A_45 = arith.constant 384 : i32
      %add3A_46 = arith.addi %mul3A_18, %add3A_45 : i32
      %dma_start3A_47 = arith.constant 384 : i32
      %dma_start3A_48 = arith.constant 0 : i32
      %dma_start3A_49 = tpu.memref_slice %arg16[%dma_start3A_47, %dma_start3A_48] : memref<512x32xf32, #tpu.memory_space<vmem>> -> memref<128x32xf32, #tpu.memory_space<vmem>>
      %dma_start3A_50 = tpu.memref_slice %arg13[%add3A_46] : memref<5120xi32, #tpu.memory_space<vmem>> -> memref<128xi32, #tpu.memory_space<vmem>>
      %dma_start3A_51 = arith.constant 0 : i32
      %dma_start3A_52 = arith.constant 0 : i32
      %dma_start3A_53 = tpu.memref_slice %arg2[%dma_start3A_51, %dma_start3A_52] : memref<1000001x32xf32, #tpu.memory_space<hbm>> -> memref<1000001x32xf32, #tpu.memory_space<hbm>>
      tpu.enqueue_indirect_dma source(%dma_start3A_53 : memref<1000001x32xf32, #tpu.memory_space<hbm>>) target(%dma_start3A_49 : memref<128x32xf32, #tpu.memory_space<vmem>>) offsets(%dma_start3A_50 : memref<128xi32, #tpu.memory_space<vmem>>) semaphore(%arg17 : memref<!tpu.dma_semaphore, #tpu.memory_space<semaphore_mem>>)
      %dma_wait3A = arith.constant 0 : i32
      %dma_wait3A_54 = arith.constant 0 : i32
      %dma_wait3A_55 = tpu.memref_slice %arg16[%dma_wait3A, %dma_wait3A_54] : memref<512x32xf32, #tpu.memory_space<vmem>> -> memref<128x32xf32, #tpu.memory_space<vmem>>
      %dma_wait3A_56 = tpu.memref_slice %arg13[%add3A_20] : memref<5120xi32, #tpu.memory_space<vmem>> -> memref<128xi32, #tpu.memory_space<vmem>>
      %dma_wait3A_57 = arith.constant 0 : i32
      %dma_wait3A_58 = arith.constant 0 : i32
      %dma_wait3A_59 = tpu.memref_slice %arg2[%dma_wait3A_57, %dma_wait3A_58] : memref<1000001x32xf32, #tpu.memory_space<hbm>> -> memref<1000001x32xf32, #tpu.memory_space<hbm>>
      tpu.wait_indirect_dma semaphore(%arg17 : memref<!tpu.dma_semaphore, #tpu.memory_space<semaphore_mem>>) src(%dma_wait3A_59 : memref<1000001x32xf32, #tpu.memory_space<hbm>>) dst(%dma_wait3A_55 : memref<128x32xf32, #tpu.memory_space<vmem>>)
      %dma_wait3A_60 = arith.constant 128 : i32
      %dma_wait3A_61 = arith.constant 0 : i32
      %dma_wait3A_62 = tpu.memref_slice %arg16[%dma_wait3A_60, %dma_wait3A_61] : memref<512x32xf32, #tpu.memory_space<vmem>> -> memref<128x32xf32, #tpu.memory_space<vmem>>
      %dma_wait3A_63 = tpu.memref_slice %arg13[%add3A_28] : memref<5120xi32, #tpu.memory_space<vmem>> -> memref<128xi32, #tpu.memory_space<vmem>>
      %dma_wait3A_64 = arith.constant 0 : i32
      %dma_wait3A_65 = arith.constant 0 : i32
      %dma_wait3A_66 = tpu.memref_slice %arg2[%dma_wait3A_64, %dma_wait3A_65] : memref<1000001x32xf32, #tpu.memory_space<hbm>> -> memref<1000001x32xf32, #tpu.memory_space<hbm>>
      tpu.wait_indirect_dma semaphore(%arg17 : memref<!tpu.dma_semaphore, #tpu.memory_space<semaphore_mem>>) src(%dma_wait3A_66 : memref<1000001x32xf32, #tpu.memory_space<hbm>>) dst(%dma_wait3A_62 : memref<128x32xf32, #tpu.memory_space<vmem>>)
      %dma_wait3A_67 = arith.constant 256 : i32
      %dma_wait3A_68 = arith.constant 0 : i32
      %dma_wait3A_69 = tpu.memref_slice %arg16[%dma_wait3A_67, %dma_wait3A_68] : memref<512x32xf32, #tpu.memory_space<vmem>> -> memref<128x32xf32, #tpu.memory_space<vmem>>
      %dma_wait3A_70 = tpu.memref_slice %arg13[%add3A_37] : memref<5120xi32, #tpu.memory_space<vmem>> -> memref<128xi32, #tpu.memory_space<vmem>>
      %dma_wait3A_71 = arith.constant 0 : i32
      %dma_wait3A_72 = arith.constant 0 : i32
      %dma_wait3A_73 = tpu.memref_slice %arg2[%dma_wait3A_71, %dma_wait3A_72] : memref<1000001x32xf32, #tpu.memory_space<hbm>> -> memref<1000001x32xf32, #tpu.memory_space<hbm>>
      tpu.wait_indirect_dma semaphore(%arg17 : memref<!tpu.dma_semaphore, #tpu.memory_space<semaphore_mem>>) src(%dma_wait3A_73 : memref<1000001x32xf32, #tpu.memory_space<hbm>>) dst(%dma_wait3A_69 : memref<128x32xf32, #tpu.memory_space<vmem>>)
      %dma_wait3A_74 = arith.constant 384 : i32
      %dma_wait3A_75 = arith.constant 0 : i32
      %dma_wait3A_76 = tpu.memref_slice %arg16[%dma_wait3A_74, %dma_wait3A_75] : memref<512x32xf32, #tpu.memory_space<vmem>> -> memref<128x32xf32, #tpu.memory_space<vmem>>
      %dma_wait3A_77 = tpu.memref_slice %arg13[%add3A_46] : memref<5120xi32, #tpu.memory_space<vmem>> -> memref<128xi32, #tpu.memory_space<vmem>>
      %dma_wait3A_78 = arith.constant 0 : i32
      %dma_wait3A_79 = arith.constant 0 : i32
      %dma_wait3A_80 = tpu.memref_slice %arg2[%dma_wait3A_78, %dma_wait3A_79] : memref<1000001x32xf32, #tpu.memory_space<hbm>> -> memref<1000001x32xf32, #tpu.memory_space<hbm>>
      tpu.wait_indirect_dma semaphore(%arg17 : memref<!tpu.dma_semaphore, #tpu.memory_space<semaphore_mem>>) src(%dma_wait3A_80 : memref<1000001x32xf32, #tpu.memory_space<hbm>>) dst(%dma_wait3A_76 : memref<128x32xf32, #tpu.memory_space<vmem>>)
      %scan3A_81 = arith.constant 0 : i32
      %scan3A_82 = arith.constant 0 : i32
      %scan3A_83 = arith.constant 32 : i32
      %scan3A_84 = arith.addi %scan3A_82, %scan3A_83 : i32
      %scan3A_85 = arith.constant 1 : i32
      scf.for %scan3A_88 = %scan3A_82 to %scan3A_84 step %scan3A_85  : i32 {
        %mul3A_89 = arith.constant 16 : i32
        %mul3A_90 = arith.muli %scan3A_88, %mul3A_89 : i32
        %add3A_91 = arith.addi %mul3A_18, %mul3A_90 : i32
        %get3A = arith.index_cast %add3A_91 : i32 to index
        %get3A_92 = tpu.vector_load %arg14[%get3A] {strides = array<i32>} : memref<5120xf32, #tpu.memory_space<vmem>>, vector<16xf32>,
        %slice3A = vector.extract_strided_slice %get3A_92 {offsets = [0], sizes = [1], strides = [1]} : vector<16xf32> to vector<1xf32>
        %squeeze3A = vector.extract %slice3A[0] : f32 from vector<1xf32>
        %add3A_93 = arith.constant 0 : i32
        %add3A_94 = arith.addi %mul3A_90, %add3A_93 : i32
        %get3A_95 = arith.index_cast %add3A_94 : i32 to index
        %get3A_96 = arith.constant 0 : index
        %get3A_97 = tpu.vector_load %arg16[%get3A_95, %get3A_96] {strides = array<i32>} : memref<512x32xf32, #tpu.memory_space<vmem>>, vector<16xf32>,
        %mul3A_98 = vector.broadcast %squeeze3A : f32 to vector<16xf32>
        %mul3A_99 = arith.mulf %get3A_97, %mul3A_98 : vector<16xf32>
        %add3A_100 = arith.constant 0 : i32
        %add3A_101 = arith.addi %mul3A_90, %add3A_100 : i32
        %swap3A = arith.index_cast %add3A_101 : i32 to index
        %swap3A_102 = arith.constant 0 : index
        %swap3A_103 = tpu.vector_load %arg16[%swap3A, %swap3A_102] {strides = array<i32>} : memref<512x32xf32, #tpu.memory_space<vmem>>, vector<16xf32>,
        tpu.vector_store %arg16[%swap3A, %swap3A_102], %mul3A_99 {strides = array<i32>} : memref<512x32xf32, #tpu.memory_space<vmem>>, vector<16xf32>,
        %add3A_104 = arith.constant 0 : i32
        %add3A_105 = arith.addi %mul3A_90, %add3A_104 : i32
        %get3A_106 = arith.index_cast %add3A_105 : i32 to index
        %get3A_107 = arith.constant 16 : index
        %get3A_108 = tpu.vector_load %arg16[%get3A_106, %get3A_107] {strides = array<i32>} : memref<512x32xf32, #tpu.memory_space<vmem>>, vector<16xf32>,
        %mul3A_109 = vector.broadcast %squeeze3A : f32 to vector<16xf32>
        %mul3A_110 = arith.mulf %get3A_108, %mul3A_109 : vector<16xf32>
        %add3A_111 = arith.constant 0 : i32
        %add3A_112 = arith.addi %mul3A_90, %add3A_111 : i32
        %swap3A_113 = arith.index_cast %add3A_112 : i32 to index
        %swap3A_114 = arith.constant 16 : index
        %swap3A_115 = tpu.vector_load %arg16[%swap3A_113, %swap3A_114] {strides = array<i32>} : memref<512x32xf32, #tpu.memory_space<vmem>>, vector<16xf32>,
        tpu.vector_store %arg16[%swap3A_113, %swap3A_114], %mul3A_110 {strides = array<i32>} : memref<512x32xf32, #tpu.memory_space<vmem>>, vector<16xf32>,
        %slice3A_116 = vector.extract_strided_slice %get3A_92 {offsets = [1], sizes = [1], strides = [1]} : vector<16xf32> to vector<1xf32>
        %squeeze3A_117 = vector.extract %slice3A_116[0] : f32 from vector<1xf32>
        %add3A_118 = arith.constant 1 : i32
        %add3A_119 = arith.addi %mul3A_90, %add3A_118 : i32
        %get3A_120 = arith.index_cast %add3A_119 : i32 to index
        %get3A_121 = arith.constant 0 : index
        %get3A_122 = tpu.vector_load %arg16[%get3A_120, %get3A_121] {strides = array<i32>} : memref<512x32xf32, #tpu.memory_space<vmem>>, vector<16xf32>,
        %mul3A_123 = vector.broadcast %squeeze3A_117 : f32 to vector<16xf32>
        %mul3A_124 = arith.mulf %get3A_122, %mul3A_123 : vector<16xf32>
        %add3A_125 = arith.constant 1 : i32
        %add3A_126 = arith.addi %mul3A_90, %add3A_125 : i32
        %swap3A_127 = arith.index_cast %add3A_126 : i32 to index
        %swap3A_128 = arith.constant 0 : index
        %swap3A_129 = tpu.vector_load %arg16[%swap3A_127, %swap3A_128] {strides = array<i32>} : memref<512x32xf32, #tpu.memory_space<vmem>>, vector<16xf32>,
        tpu.vector_store %arg16[%swap3A_127, %swap3A_128], %mul3A_124 {strides = array<i32>} : memref<512x32xf32, #tpu.memory_space<vmem>>, vector<16xf32>,
        %add3A_130 = arith.constant 1 : i32
        %add3A_131 = arith.addi %mul3A_90, %add3A_130 : i32
        %get3A_132 = arith.index_cast %add3A_131 : i32 to index
        %get3A_133 = arith.constant 16 : index
        %get3A_134 = tpu.vector_load %arg16[%get3A_132, %get3A_133] {strides = array<i32>} : memref<512x32xf32, #tpu.memory_space<vmem>>, vector<16xf32>,
        %mul3A_135 = vector.broadcast %squeeze3A_117 : f32 to vector<16xf32>
        %mul3A_136 = arith.mulf %get3A_134, %mul3A_135 : vector<16xf32>
        %add3A_137 = arith.constant 1 : i32
        %add3A_138 = arith.addi %mul3A_90, %add3A_137 : i32
        %swap3A_139 = arith.index_cast %add3A_138 : i32 to index
        %swap3A_140 = arith.constant 16 : index
        %swap3A_141 = tpu.vector_load %arg16[%swap3A_139, %swap3A_140] {strides = array<i32>} : memref<512x32xf32, #tpu.memory_space<vmem>>, vector<16xf32>,
        tpu.vector_store %arg16[%swap3A_139, %swap3A_140], %mul3A_136 {strides = array<i32>} : memref<512x32xf32, #tpu.memory_space<vmem>>, vector<16xf32>,
        %slice3A_142 = vector.extract_strided_slice %get3A_92 {offsets = [2], sizes = [1], strides = [1]} : vector<16xf32> to vector<1xf32>
        %squeeze3A_143 = vector.extract %slice3A_142[0] : f32 from vector<1xf32>
        %add3A_144 = arith.constant 2 : i32
        %add3A_145 = arith.addi %mul3A_90, %add3A_144 : i32
        %get3A_146 = arith.index_cast %add3A_145 : i32 to index
        %get3A_147 = arith.constant 0 : index
        %get3A_148 = tpu.vector_load %arg16[%get3A_146, %get3A_147] {strides = array<i32>} : memref<512x32xf32, #tpu.memory_space<vmem>>, vector<16xf32>,
        %mul3A_149 = vector.broadcast %squeeze3A_143 : f32 to vector<16xf32>
        %mul3A_150 = arith.mulf %get3A_148, %mul3A_149 : vector<16xf32>
        %add3A_151 = arith.constant 2 : i32
        %add3A_152 = arith.addi %mul3A_90, %add3A_151 : i32
        %swap3A_153 = arith.index_cast %add3A_152 : i32 to index
        %swap3A_154 = arith.constant 0 : index
        %swap3A_155 = tpu.vector_load %arg16[%swap3A_153, %swap3A_154] {strides = array<i32>} : memref<512x32xf32, #tpu.memory_space<vmem>>, vector<16xf32>,
        tpu.vector_store %arg16[%swap3A_153, %swap3A_154], %mul3A_150 {strides = array<i32>} : memref<512x32xf32, #tpu.memory_space<vmem>>, vector<16xf32>,
        %add3A_156 = arith.constant 2 : i32
        %add3A_157 = arith.addi %mul3A_90, %add3A_156 : i32
        %get3A_158 = arith.index_cast %add3A_157 : i32 to index
        %get3A_159 = arith.constant 16 : index
        %get3A_160 = tpu.vector_load %arg16[%get3A_158, %get3A_159] {strides = array<i32>} : memref<512x32xf32, #tpu.memory_space<vmem>>, vector<16xf32>,
        %mul3A_161 = vector.broadcast %squeeze3A_143 : f32 to vector<16xf32>
        %mul3A_162 = arith.mulf %get3A_160, %mul3A_161 : vector<16xf32>
        %add3A_163 = arith.constant 2 : i32
        %add3A_164 = arith.addi %mul3A_90, %add3A_163 : i32
        %swap3A_165 = arith.index_cast %add3A_164 : i32 to index
        %swap3A_166 = arith.constant 16 : index
        %swap3A_167 = tpu.vector_load %arg16[%swap3A_165, %swap3A_166] {strides = array<i32>} : memref<512x32xf32, #tpu.memory_space<vmem>>, vector<16xf32>,
        tpu.vector_store %arg16[%swap3A_165, %swap3A_166], %mul3A_162 {strides = array<i32>} : memref<512x32xf32, #tpu.memory_space<vmem>>, vector<16xf32>,
        %slice3A_168 = vector.extract_strided_slice %get3A_92 {offsets = [3], sizes = [1], strides = [1]} : vector<16xf32> to vector<1xf32>
        %squeeze3A_169 = vector.extract %slice3A_168[0] : f32 from vector<1xf32>
        %add3A_170 = arith.constant 3 : i32
        %add3A_171 = arith.addi %mul3A_90, %add3A_170 : i32
        %get3A_172 = arith.index_cast %add3A_171 : i32 to index
        %get3A_173 = arith.constant 0 : index
        %get3A_174 = tpu.vector_load %arg16[%get3A_172, %get3A_173] {strides = array<i32>} : memref<512x32xf32, #tpu.memory_space<vmem>>, vector<16xf32>,
        %mul3A_175 = vector.broadcast %squeeze3A_169 : f32 to vector<16xf32>
        %mul3A_176 = arith.mulf %get3A_174, %mul3A_175 : vector<16xf32>
        %add3A_177 = arith.constant 3 : i32
        %add3A_178 = arith.addi %mul3A_90, %add3A_177 : i32
        %swap3A_179 = arith.index_cast %add3A_178 : i32 to index
        %swap3A_180 = arith.constant 0 : index
        %swap3A_181 = tpu.vector_load %arg16[%swap3A_179, %swap3A_180] {strides = array<i32>} : memref<512x32xf32, #tpu.memory_space<vmem>>, vector<16xf32>,
        tpu.vector_store %arg16[%swap3A_179, %swap3A_180], %mul3A_176 {strides = array<i32>} : memref<512x32xf32, #tpu.memory_space<vmem>>, vector<16xf32>,
        %add3A_182 = arith.constant 3 : i32
        %add3A_183 = arith.addi %mul3A_90, %add3A_182 : i32
        %get3A_184 = arith.index_cast %add3A_183 : i32 to index
        %get3A_185 = arith.constant 16 : index
        %get3A_186 = tpu.vector_load %arg16[%get3A_184, %get3A_185] {strides = array<i32>} : memref<512x32xf32, #tpu.memory_space<vmem>>, vector<16xf32>,
        %mul3A_187 = vector.broadcast %squeeze3A_169 : f32 to vector<16xf32>
        %mul3A_188 = arith.mulf %get3A_186, %mul3A_187 : vector<16xf32>
        %add3A_189 = arith.constant 3 : i32
        %add3A_190 = arith.addi %mul3A_90, %add3A_189 : i32
        %swap3A_191 = arith.index_cast %add3A_190 : i32 to index
        %swap3A_192 = arith.constant 16 : index
        %swap3A_193 = tpu.vector_load %arg16[%swap3A_191, %swap3A_192] {strides = array<i32>} : memref<512x32xf32, #tpu.memory_space<vmem>>, vector<16xf32>,
        tpu.vector_store %arg16[%swap3A_191, %swap3A_192], %mul3A_188 {strides = array<i32>} : memref<512x32xf32, #tpu.memory_space<vmem>>, vector<16xf32>,
        %slice3A_194 = vector.extract_strided_slice %get3A_92 {offsets = [4], sizes = [1], strides = [1]} : vector<16xf32> to vector<1xf32>
        %squeeze3A_195 = vector.extract %slice3A_194[0] : f32 from vector<1xf32>
        %add3A_196 = arith.constant 4 : i32
        %add3A_197 = arith.addi %mul3A_90, %add3A_196 : i32
        %get3A_198 = arith.index_cast %add3A_197 : i32 to index
        %get3A_199 = arith.constant 0 : index
        %get3A_200 = tpu.vector_load %arg16[%get3A_198, %get3A_199] {strides = array<i32>} : memref<512x32xf32, #tpu.memory_space<vmem>>, vector<16xf32>,
        %mul3A_201 = vector.broadcast %squeeze3A_195 : f32 to vector<16xf32>
        %mul3A_202 = arith.mulf %get3A_200, %mul3A_201 : vector<16xf32>
        %add3A_203 = arith.constant 4 : i32
        %add3A_204 = arith.addi %mul3A_90, %add3A_203 : i32
        %swap3A_205 = arith.index_cast %add3A_204 : i32 to index
        %swap3A_206 = arith.constant 0 : index
        %swap3A_207 = tpu.vector_load %arg16[%swap3A_205, %swap3A_206] {strides = array<i32>} : memref<512x32xf32, #tpu.memory_space<vmem>>, vector<16xf32>,
        tpu.vector_store %arg16[%swap3A_205, %swap3A_206], %mul3A_202 {strides = array<i32>} : memref<512x32xf32, #tpu.memory_space<vmem>>, vector<16xf32>,
        %add3A_208 = arith.constant 4 : i32
        %add3A_209 = arith.addi %mul3A_90, %add3A_208 : i32
        %get3A_210 = arith.index_cast %add3A_209 : i32 to index
        %get3A_211 = arith.constant 16 : index
        %get3A_212 = tpu.vector_load %arg16[%get3A_210, %get3A_211] {strides = array<i32>} : memref<512x32xf32, #tpu.memory_space<vmem>>, vector<16xf32>,
        %mul3A_213 = vector.broadcast %squeeze3A_195 : f32 to vector<16xf32>
        %mul3A_214 = arith.mulf %get3A_212, %mul3A_213 : vector<16xf32>
        %add3A_215 = arith.constant 4 : i32
        %add3A_216 = arith.addi %mul3A_90, %add3A_215 : i32
        %swap3A_217 = arith.index_cast %add3A_216 : i32 to index
        %swap3A_218 = arith.constant 16 : index
        %swap3A_219 = tpu.vector_load %arg16[%swap3A_217, %swap3A_218] {strides = array<i32>} : memref<512x32xf32, #tpu.memory_space<vmem>>, vector<16xf32>,
        tpu.vector_store %arg16[%swap3A_217, %swap3A_218], %mul3A_214 {strides = array<i32>} : memref<512x32xf32, #tpu.memory_space<vmem>>, vector<16xf32>,
        %slice3A_220 = vector.extract_strided_slice %get3A_92 {offsets = [5], sizes = [1], strides = [1]} : vector<16xf32> to vector<1xf32>
        %squeeze3A_221 = vector.extract %slice3A_220[0] : f32 from vector<1xf32>
        %add3A_222 = arith.constant 5 : i32
        %add3A_223 = arith.addi %mul3A_90, %add3A_222 : i32
        %get3A_224 = arith.index_cast %add3A_223 : i32 to index
        %get3A_225 = arith.constant 0 : index
        %get3A_226 = tpu.vector_load %arg16[%get3A_224, %get3A_225] {strides = array<i32>} : memref<512x32xf32, #tpu.memory_space<vmem>>, vector<16xf32>,
        %mul3A_227 = vector.broadcast %squeeze3A_221 : f32 to vector<16xf32>
        %mul3A_228 = arith.mulf %get3A_226, %mul3A_227 : vector<16xf32>
        %add3A_229 = arith.constant 5 : i32
        %add3A_230 = arith.addi %mul3A_90, %add3A_229 : i32
        %swap3A_231 = arith.index_cast %add3A_230 : i32 to index
        %swap3A_232 = arith.constant 0 : index
        %swap3A_233 = tpu.vector_load %arg16[%swap3A_231, %swap3A_232] {strides = array<i32>} : memref<512x32xf32, #tpu.memory_space<vmem>>, vector<16xf32>,
        tpu.vector_store %arg16[%swap3A_231, %swap3A_232], %mul3A_228 {strides = array<i32>} : memref<512x32xf32, #tpu.memory_space<vmem>>, vector<16xf32>,
        %add3A_234 = arith.constant 5 : i32
        %add3A_235 = arith.addi %mul3A_90, %add3A_234 : i32
        %get3A_236 = arith.index_cast %add3A_235 : i32 to index
        %get3A_237 = arith.constant 16 : index
        %get3A_238 = tpu.vector_load %arg16[%get3A_236, %get3A_237] {strides = array<i32>} : memref<512x32xf32, #tpu.memory_space<vmem>>, vector<16xf32>,
        %mul3A_239 = vector.broadcast %squeeze3A_221 : f32 to vector<16xf32>
        %mul3A_240 = arith.mulf %get3A_238, %mul3A_239 : vector<16xf32>
        %add3A_241 = arith.constant 5 : i32
        %add3A_242 = arith.addi %mul3A_90, %add3A_241 : i32
        %swap3A_243 = arith.index_cast %add3A_242 : i32 to index
        %swap3A_244 = arith.constant 16 : index
        %swap3A_245 = tpu.vector_load %arg16[%swap3A_243, %swap3A_244] {strides = array<i32>} : memref<512x32xf32, #tpu.memory_space<vmem>>, vector<16xf32>,
        tpu.vector_store %arg16[%swap3A_243, %swap3A_244], %mul3A_240 {strides = array<i32>} : memref<512x32xf32, #tpu.memory_space<vmem>>, vector<16xf32>,
        %slice3A_246 = vector.extract_strided_slice %get3A_92 {offsets = [6], sizes = [1], strides = [1]} : vector<16xf32> to vector<1xf32>
        %squeeze3A_247 = vector.extract %slice3A_246[0] : f32 from vector<1xf32>
        %add3A_248 = arith.constant 6 : i32
        %add3A_249 = arith.addi %mul3A_90, %add3A_248 : i32
        %get3A_250 = arith.index_cast %add3A_249 : i32 to index
        %get3A_251 = arith.constant 0 : index
        %get3A_252 = tpu.vector_load %arg16[%get3A_250, %get3A_251] {strides = array<i32>} : memref<512x32xf32, #tpu.memory_space<vmem>>, vector<16xf32>,
        %mul3A_253 = vector.broadcast %squeeze3A_247 : f32 to vector<16xf32>
        %mul3A_254 = arith.mulf %get3A_252, %mul3A_253 : vector<16xf32>
        %add3A_255 = arith.constant 6 : i32
        %add3A_256 = arith.addi %mul3A_90, %add3A_255 : i32
        %swap3A_257 = arith.index_cast %add3A_256 : i32 to index
        %swap3A_258 = arith.constant 0 : index
        %swap3A_259 = tpu.vector_load %arg16[%swap3A_257, %swap3A_258] {strides = array<i32>} : memref<512x32xf32, #tpu.memory_space<vmem>>, vector<16xf32>,
        tpu.vector_store %arg16[%swap3A_257, %swap3A_258], %mul3A_254 {strides = array<i32>} : memref<512x32xf32, #tpu.memory_space<vmem>>, vector<16xf32>,
        %add3A_260 = arith.constant 6 : i32
        %add3A_261 = arith.addi %mul3A_90, %add3A_260 : i32
        %get3A_262 = arith.index_cast %add3A_261 : i32 to index
        %get3A_263 = arith.constant 16 : index
        %get3A_264 = tpu.vector_load %arg16[%get3A_262, %get3A_263] {strides = array<i32>} : memref<512x32xf32, #tpu.memory_space<vmem>>, vector<16xf32>,
        %mul3A_265 = vector.broadcast %squeeze3A_247 : f32 to vector<16xf32>
        %mul3A_266 = arith.mulf %get3A_264, %mul3A_265 : vector<16xf32>
        %add3A_267 = arith.constant 6 : i32
        %add3A_268 = arith.addi %mul3A_90, %add3A_267 : i32
        %swap3A_269 = arith.index_cast %add3A_268 : i32 to index
        %swap3A_270 = arith.constant 16 : index
        %swap3A_271 = tpu.vector_load %arg16[%swap3A_269, %swap3A_270] {strides = array<i32>} : memref<512x32xf32, #tpu.memory_space<vmem>>, vector<16xf32>,
        tpu.vector_store %arg16[%swap3A_269, %swap3A_270], %mul3A_266 {strides = array<i32>} : memref<512x32xf32, #tpu.memory_space<vmem>>, vector<16xf32>,
        %slice3A_272 = vector.extract_strided_slice %get3A_92 {offsets = [7], sizes = [1], strides = [1]} : vector<16xf32> to vector<1xf32>
        %squeeze3A_273 = vector.extract %slice3A_272[0] : f32 from vector<1xf32>
        %add3A_274 = arith.constant 7 : i32
        %add3A_275 = arith.addi %mul3A_90, %add3A_274 : i32
        %get3A_276 = arith.index_cast %add3A_275 : i32 to index
        %get3A_277 = arith.constant 0 : index
        %get3A_278 = tpu.vector_load %arg16[%get3A_276, %get3A_277] {strides = array<i32>} : memref<512x32xf32, #tpu.memory_space<vmem>>, vector<16xf32>,
        %mul3A_279 = vector.broadcast %squeeze3A_273 : f32 to vector<16xf32>
        %mul3A_280 = arith.mulf %get3A_278, %mul3A_279 : vector<16xf32>
        %add3A_281 = arith.constant 7 : i32
        %add3A_282 = arith.addi %mul3A_90, %add3A_281 : i32
        %swap3A_283 = arith.index_cast %add3A_282 : i32 to index
        %swap3A_284 = arith.constant 0 : index
        %swap3A_285 = tpu.vector_load %arg16[%swap3A_283, %swap3A_284] {strides = array<i32>} : memref<512x32xf32, #tpu.memory_space<vmem>>, vector<16xf32>,
        tpu.vector_store %arg16[%swap3A_283, %swap3A_284], %mul3A_280 {strides = array<i32>} : memref<512x32xf32, #tpu.memory_space<vmem>>, vector<16xf32>,
        %add3A_286 = arith.constant 7 : i32
        %add3A_287 = arith.addi %mul3A_90, %add3A_286 : i32
        %get3A_288 = arith.index_cast %add3A_287 : i32 to index
        %get3A_289 = arith.constant 16 : index
        %get3A_290 = tpu.vector_load %arg16[%get3A_288, %get3A_289] {strides = array<i32>} : memref<512x32xf32, #tpu.memory_space<vmem>>, vector<16xf32>,
        %mul3A_291 = vector.broadcast %squeeze3A_273 : f32 to vector<16xf32>
        %mul3A_292 = arith.mulf %get3A_290, %mul3A_291 : vector<16xf32>
        %add3A_293 = arith.constant 7 : i32
        %add3A_294 = arith.addi %mul3A_90, %add3A_293 : i32
        %swap3A_295 = arith.index_cast %add3A_294 : i32 to index
        %swap3A_296 = arith.constant 16 : index
        %swap3A_297 = tpu.vector_load %arg16[%swap3A_295, %swap3A_296] {strides = array<i32>} : memref<512x32xf32, #tpu.memory_space<vmem>>, vector<16xf32>,
        tpu.vector_store %arg16[%swap3A_295, %swap3A_296], %mul3A_292 {strides = array<i32>} : memref<512x32xf32, #tpu.memory_space<vmem>>, vector<16xf32>,
        %slice3A_298 = vector.extract_strided_slice %get3A_92 {offsets = [8], sizes = [1], strides = [1]} : vector<16xf32> to vector<1xf32>
        %squeeze3A_299 = vector.extract %slice3A_298[0] : f32 from vector<1xf32>
        %add3A_300 = arith.constant 8 : i32
        %add3A_301 = arith.addi %mul3A_90, %add3A_300 : i32
        %get3A_302 = arith.index_cast %add3A_301 : i32 to index
        %get3A_303 = arith.constant 0 : index
        %get3A_304 = tpu.vector_load %arg16[%get3A_302, %get3A_303] {strides = array<i32>} : memref<512x32xf32, #tpu.memory_space<vmem>>, vector<16xf32>,
        %mul3A_305 = vector.broadcast %squeeze3A_299 : f32 to vector<16xf32>
        %mul3A_306 = arith.mulf %get3A_304, %mul3A_305 : vector<16xf32>
        %add3A_307 = arith.constant 8 : i32
        %add3A_308 = arith.addi %mul3A_90, %add3A_307 : i32
        %swap3A_309 = arith.index_cast %add3A_308 : i32 to index
        %swap3A_310 = arith.constant 0 : index
        %swap3A_311 = tpu.vector_load %arg16[%swap3A_309, %swap3A_310] {strides = array<i32>} : memref<512x32xf32, #tpu.memory_space<vmem>>, vector<16xf32>,
        tpu.vector_store %arg16[%swap3A_309, %swap3A_310], %mul3A_306 {strides = array<i32>} : memref<512x32xf32, #tpu.memory_space<vmem>>, vector<16xf32>,
        %add3A_312 = arith.constant 8 : i32
        %add3A_313 = arith.addi %mul3A_90, %add3A_312 : i32
        %get3A_314 = arith.index_cast %add3A_313 : i32 to index
        %get3A_315 = arith.constant 16 : index
        %get3A_316 = tpu.vector_load %arg16[%get3A_314, %get3A_315] {strides = array<i32>} : memref<512x32xf32, #tpu.memory_space<vmem>>, vector<16xf32>,
        %mul3A_317 = vector.broadcast %squeeze3A_299 : f32 to vector<16xf32>
        %mul3A_318 = arith.mulf %get3A_316, %mul3A_317 : vector<16xf32>
        %add3A_319 = arith.constant 8 : i32
        %add3A_320 = arith.addi %mul3A_90, %add3A_319 : i32
        %swap3A_321 = arith.index_cast %add3A_320 : i32 to index
        %swap3A_322 = arith.constant 16 : index
        %swap3A_323 = tpu.vector_load %arg16[%swap3A_321, %swap3A_322] {strides = array<i32>} : memref<512x32xf32, #tpu.memory_space<vmem>>, vector<16xf32>,
        tpu.vector_store %arg16[%swap3A_321, %swap3A_322], %mul3A_318 {strides = array<i32>} : memref<512x32xf32, #tpu.memory_space<vmem>>, vector<16xf32>,
        %slice3A_324 = vector.extract_strided_slice %get3A_92 {offsets = [9], sizes = [1], strides = [1]} : vector<16xf32> to vector<1xf32>
        %squeeze3A_325 = vector.extract %slice3A_324[0] : f32 from vector<1xf32>
        %add3A_326 = arith.constant 9 : i32
        %add3A_327 = arith.addi %mul3A_90, %add3A_326 : i32
        %get3A_328 = arith.index_cast %add3A_327 : i32 to index
        %get3A_329 = arith.constant 0 : index
        %get3A_330 = tpu.vector_load %arg16[%get3A_328, %get3A_329] {strides = array<i32>} : memref<512x32xf32, #tpu.memory_space<vmem>>, vector<16xf32>,
        %mul3A_331 = vector.broadcast %squeeze3A_325 : f32 to vector<16xf32>
        %mul3A_332 = arith.mulf %get3A_330, %mul3A_331 : vector<16xf32>
        %add3A_333 = arith.constant 9 : i32
        %add3A_334 = arith.addi %mul3A_90, %add3A_333 : i32
        %swap3A_335 = arith.index_cast %add3A_334 : i32 to index
        %swap3A_336 = arith.constant 0 : index
        %swap3A_337 = tpu.vector_load %arg16[%swap3A_335, %swap3A_336] {strides = array<i32>} : memref<512x32xf32, #tpu.memory_space<vmem>>, vector<16xf32>,
        tpu.vector_store %arg16[%swap3A_335, %swap3A_336], %mul3A_332 {strides = array<i32>} : memref<512x32xf32, #tpu.memory_space<vmem>>, vector<16xf32>,
        %add3A_338 = arith.constant 9 : i32
        %add3A_339 = arith.addi %mul3A_90, %add3A_338 : i32
        %get3A_340 = arith.index_cast %add3A_339 : i32 to index
        %get3A_341 = arith.constant 16 : index
        %get3A_342 = tpu.vector_load %arg16[%get3A_340, %get3A_341] {strides = array<i32>} : memref<512x32xf32, #tpu.memory_space<vmem>>, vector<16xf32>,
        %mul3A_343 = vector.broadcast %squeeze3A_325 : f32 to vector<16xf32>
        %mul3A_344 = arith.mulf %get3A_342, %mul3A_343 : vector<16xf32>
        %add3A_345 = arith.constant 9 : i32
        %add3A_346 = arith.addi %mul3A_90, %add3A_345 : i32
        %swap3A_347 = arith.index_cast %add3A_346 : i32 to index
        %swap3A_348 = arith.constant 16 : index
        %swap3A_349 = tpu.vector_load %arg16[%swap3A_347, %swap3A_348] {strides = array<i32>} : memref<512x32xf32, #tpu.memory_space<vmem>>, vector<16xf32>,
        tpu.vector_store %arg16[%swap3A_347, %swap3A_348], %mul3A_344 {strides = array<i32>} : memref<512x32xf32, #tpu.memory_space<vmem>>, vector<16xf32>,
        %slice3A_350 = vector.extract_strided_slice %get3A_92 {offsets = [10], sizes = [1], strides = [1]} : vector<16xf32> to vector<1xf32>
        %squeeze3A_351 = vector.extract %slice3A_350[0] : f32 from vector<1xf32>
        %add3A_352 = arith.constant 10 : i32
        %add3A_353 = arith.addi %mul3A_90, %add3A_352 : i32
        %get3A_354 = arith.index_cast %add3A_353 : i32 to index
        %get3A_355 = arith.constant 0 : index
        %get3A_356 = tpu.vector_load %arg16[%get3A_354, %get3A_355] {strides = array<i32>} : memref<512x32xf32, #tpu.memory_space<vmem>>, vector<16xf32>,
        %mul3A_357 = vector.broadcast %squeeze3A_351 : f32 to vector<16xf32>
        %mul3A_358 = arith.mulf %get3A_356, %mul3A_357 : vector<16xf32>
        %add3A_359 = arith.constant 10 : i32
        %add3A_360 = arith.addi %mul3A_90, %add3A_359 : i32
        %swap3A_361 = arith.index_cast %add3A_360 : i32 to index
        %swap3A_362 = arith.constant 0 : index
        %swap3A_363 = tpu.vector_load %arg16[%swap3A_361, %swap3A_362] {strides = array<i32>} : memref<512x32xf32, #tpu.memory_space<vmem>>, vector<16xf32>,
        tpu.vector_store %arg16[%swap3A_361, %swap3A_362], %mul3A_358 {strides = array<i32>} : memref<512x32xf32, #tpu.memory_space<vmem>>, vector<16xf32>,
        %add3A_364 = arith.constant 10 : i32
        %add3A_365 = arith.addi %mul3A_90, %add3A_364 : i32
        %get3A_366 = arith.index_cast %add3A_365 : i32 to index
        %get3A_367 = arith.constant 16 : index
        %get3A_368 = tpu.vector_load %arg16[%get3A_366, %get3A_367] {strides = array<i32>} : memref<512x32xf32, #tpu.memory_space<vmem>>, vector<16xf32>,
        %mul3A_369 = vector.broadcast %squeeze3A_351 : f32 to vector<16xf32>
        %mul3A_370 = arith.mulf %get3A_368, %mul3A_369 : vector<16xf32>
        %add3A_371 = arith.constant 10 : i32
        %add3A_372 = arith.addi %mul3A_90, %add3A_371 : i32
        %swap3A_373 = arith.index_cast %add3A_372 : i32 to index
        %swap3A_374 = arith.constant 16 : index
        %swap3A_375 = tpu.vector_load %arg16[%swap3A_373, %swap3A_374] {strides = array<i32>} : memref<512x32xf32, #tpu.memory_space<vmem>>, vector<16xf32>,
        tpu.vector_store %arg16[%swap3A_373, %swap3A_374], %mul3A_370 {strides = array<i32>} : memref<512x32xf32, #tpu.memory_space<vmem>>, vector<16xf32>,
        %slice3A_376 = vector.extract_strided_slice %get3A_92 {offsets = [11], sizes = [1], strides = [1]} : vector<16xf32> to vector<1xf32>
        %squeeze3A_377 = vector.extract %slice3A_376[0] : f32 from vector<1xf32>
        %add3A_378 = arith.constant 11 : i32
        %add3A_379 = arith.addi %mul3A_90, %add3A_378 : i32
        %get3A_380 = arith.index_cast %add3A_379 : i32 to index
        %get3A_381 = arith.constant 0 : index
        %get3A_382 = tpu.vector_load %arg16[%get3A_380, %get3A_381] {strides = array<i32>} : memref<512x32xf32, #tpu.memory_space<vmem>>, vector<16xf32>,
        %mul3A_383 = vector.broadcast %squeeze3A_377 : f32 to vector<16xf32>
        %mul3A_384 = arith.mulf %get3A_382, %mul3A_383 : vector<16xf32>
        %add3A_385 = arith.constant 11 : i32
        %add3A_386 = arith.addi %mul3A_90, %add3A_385 : i32
        %swap3A_387 = arith.index_cast %add3A_386 : i32 to index
        %swap3A_388 = arith.constant 0 : index
        %swap3A_389 = tpu.vector_load %arg16[%swap3A_387, %swap3A_388] {strides = array<i32>} : memref<512x32xf32, #tpu.memory_space<vmem>>, vector<16xf32>,
        tpu.vector_store %arg16[%swap3A_387, %swap3A_388], %mul3A_384 {strides = array<i32>} : memref<512x32xf32, #tpu.memory_space<vmem>>, vector<16xf32>,
        %add3A_390 = arith.constant 11 : i32
        %add3A_391 = arith.addi %mul3A_90, %add3A_390 : i32
        %get3A_392 = arith.index_cast %add3A_391 : i32 to index
        %get3A_393 = arith.constant 16 : index
        %get3A_394 = tpu.vector_load %arg16[%get3A_392, %get3A_393] {strides = array<i32>} : memref<512x32xf32, #tpu.memory_space<vmem>>, vector<16xf32>,
        %mul3A_395 = vector.broadcast %squeeze3A_377 : f32 to vector<16xf32>
        %mul3A_396 = arith.mulf %get3A_394, %mul3A_395 : vector<16xf32>
        %add3A_397 = arith.constant 11 : i32
        %add3A_398 = arith.addi %mul3A_90, %add3A_397 : i32
        %swap3A_399 = arith.index_cast %add3A_398 : i32 to index
        %swap3A_400 = arith.constant 16 : index
        %swap3A_401 = tpu.vector_load %arg16[%swap3A_399, %swap3A_400] {strides = array<i32>} : memref<512x32xf32, #tpu.memory_space<vmem>>, vector<16xf32>,
        tpu.vector_store %arg16[%swap3A_399, %swap3A_400], %mul3A_396 {strides = array<i32>} : memref<512x32xf32, #tpu.memory_space<vmem>>, vector<16xf32>,
        %slice3A_402 = vector.extract_strided_slice %get3A_92 {offsets = [12], sizes = [1], strides = [1]} : vector<16xf32> to vector<1xf32>
        %squeeze3A_403 = vector.extract %slice3A_402[0] : f32 from vector<1xf32>
        %add3A_404 = arith.constant 12 : i32
        %add3A_405 = arith.addi %mul3A_90, %add3A_404 : i32
        %get3A_406 = arith.index_cast %add3A_405 : i32 to index
        %get3A_407 = arith.constant 0 : index
        %get3A_408 = tpu.vector_load %arg16[%get3A_406, %get3A_407] {strides = array<i32>} : memref<512x32xf32, #tpu.memory_space<vmem>>, vector<16xf32>,
        %mul3A_409 = vector.broadcast %squeeze3A_403 : f32 to vector<16xf32>
        %mul3A_410 = arith.mulf %get3A_408, %mul3A_409 : vector<16xf32>
        %add3A_411 = arith.constant 12 : i32
        %add3A_412 = arith.addi %mul3A_90, %add3A_411 : i32
        %swap3A_413 = arith.index_cast %add3A_412 : i32 to index
        %swap3A_414 = arith.constant 0 : index
        %swap3A_415 = tpu.vector_load %arg16[%swap3A_413, %swap3A_414] {strides = array<i32>} : memref<512x32xf32, #tpu.memory_space<vmem>>, vector<16xf32>,
        tpu.vector_store %arg16[%swap3A_413, %swap3A_414], %mul3A_410 {strides = array<i32>} : memref<512x32xf32, #tpu.memory_space<vmem>>, vector<16xf32>,
        %add3A_416 = arith.constant 12 : i32
        %add3A_417 = arith.addi %mul3A_90, %add3A_416 : i32
        %get3A_418 = arith.index_cast %add3A_417 : i32 to index
        %get3A_419 = arith.constant 16 : index
        %get3A_420 = tpu.vector_load %arg16[%get3A_418, %get3A_419] {strides = array<i32>} : memref<512x32xf32, #tpu.memory_space<vmem>>, vector<16xf32>,
        %mul3A_421 = vector.broadcast %squeeze3A_403 : f32 to vector<16xf32>
        %mul3A_422 = arith.mulf %get3A_420, %mul3A_421 : vector<16xf32>
        %add3A_423 = arith.constant 12 : i32
        %add3A_424 = arith.addi %mul3A_90, %add3A_423 : i32
        %swap3A_425 = arith.index_cast %add3A_424 : i32 to index
        %swap3A_426 = arith.constant 16 : index
        %swap3A_427 = tpu.vector_load %arg16[%swap3A_425, %swap3A_426] {strides = array<i32>} : memref<512x32xf32, #tpu.memory_space<vmem>>, vector<16xf32>,
        tpu.vector_store %arg16[%swap3A_425, %swap3A_426], %mul3A_422 {strides = array<i32>} : memref<512x32xf32, #tpu.memory_space<vmem>>, vector<16xf32>,
        %slice3A_428 = vector.extract_strided_slice %get3A_92 {offsets = [13], sizes = [1], strides = [1]} : vector<16xf32> to vector<1xf32>
        %squeeze3A_429 = vector.extract %slice3A_428[0] : f32 from vector<1xf32>
        %add3A_430 = arith.constant 13 : i32
        %add3A_431 = arith.addi %mul3A_90, %add3A_430 : i32
        %get3A_432 = arith.index_cast %add3A_431 : i32 to index
        %get3A_433 = arith.constant 0 : index
        %get3A_434 = tpu.vector_load %arg16[%get3A_432, %get3A_433] {strides = array<i32>} : memref<512x32xf32, #tpu.memory_space<vmem>>, vector<16xf32>,
        %mul3A_435 = vector.broadcast %squeeze3A_429 : f32 to vector<16xf32>
        %mul3A_436 = arith.mulf %get3A_434, %mul3A_435 : vector<16xf32>
        %add3A_437 = arith.constant 13 : i32
        %add3A_438 = arith.addi %mul3A_90, %add3A_437 : i32
        %swap3A_439 = arith.index_cast %add3A_438 : i32 to index
        %swap3A_440 = arith.constant 0 : index
        %swap3A_441 = tpu.vector_load %arg16[%swap3A_439, %swap3A_440] {strides = array<i32>} : memref<512x32xf32, #tpu.memory_space<vmem>>, vector<16xf32>,
        tpu.vector_store %arg16[%swap3A_439, %swap3A_440], %mul3A_436 {strides = array<i32>} : memref<512x32xf32, #tpu.memory_space<vmem>>, vector<16xf32>,
        %add3A_442 = arith.constant 13 : i32
        %add3A_443 = arith.addi %mul3A_90, %add3A_442 : i32
        %get3A_444 = arith.index_cast %add3A_443 : i32 to index
        %get3A_445 = arith.constant 16 : index
        %get3A_446 = tpu.vector_load %arg16[%get3A_444, %get3A_445] {strides = array<i32>} : memref<512x32xf32, #tpu.memory_space<vmem>>, vector<16xf32>,
        %mul3A_447 = vector.broadcast %squeeze3A_429 : f32 to vector<16xf32>
        %mul3A_448 = arith.mulf %get3A_446, %mul3A_447 : vector<16xf32>
        %add3A_449 = arith.constant 13 : i32
        %add3A_450 = arith.addi %mul3A_90, %add3A_449 : i32
        %swap3A_451 = arith.index_cast %add3A_450 : i32 to index
        %swap3A_452 = arith.constant 16 : index
        %swap3A_453 = tpu.vector_load %arg16[%swap3A_451, %swap3A_452] {strides = array<i32>} : memref<512x32xf32, #tpu.memory_space<vmem>>, vector<16xf32>,
        tpu.vector_store %arg16[%swap3A_451, %swap3A_452], %mul3A_448 {strides = array<i32>} : memref<512x32xf32, #tpu.memory_space<vmem>>, vector<16xf32>,
        %slice3A_454 = vector.extract_strided_slice %get3A_92 {offsets = [14], sizes = [1], strides = [1]} : vector<16xf32> to vector<1xf32>
        %squeeze3A_455 = vector.extract %slice3A_454[0] : f32 from vector<1xf32>
        %add3A_456 = arith.constant 14 : i32
        %add3A_457 = arith.addi %mul3A_90, %add3A_456 : i32
        %get3A_458 = arith.index_cast %add3A_457 : i32 to index
        %get3A_459 = arith.constant 0 : index
        %get3A_460 = tpu.vector_load %arg16[%get3A_458, %get3A_459] {strides = array<i32>} : memref<512x32xf32, #tpu.memory_space<vmem>>, vector<16xf32>,
        %mul3A_461 = vector.broadcast %squeeze3A_455 : f32 to vector<16xf32>
        %mul3A_462 = arith.mulf %get3A_460, %mul3A_461 : vector<16xf32>
        %add3A_463 = arith.constant 14 : i32
        %add3A_464 = arith.addi %mul3A_90, %add3A_463 : i32
        %swap3A_465 = arith.index_cast %add3A_464 : i32 to index
        %swap3A_466 = arith.constant 0 : index
        %swap3A_467 = tpu.vector_load %arg16[%swap3A_465, %swap3A_466] {strides = array<i32>} : memref<512x32xf32, #tpu.memory_space<vmem>>, vector<16xf32>,
        tpu.vector_store %arg16[%swap3A_465, %swap3A_466], %mul3A_462 {strides = array<i32>} : memref<512x32xf32, #tpu.memory_space<vmem>>, vector<16xf32>,
        %add3A_468 = arith.constant 14 : i32
        %add3A_469 = arith.addi %mul3A_90, %add3A_468 : i32
        %get3A_470 = arith.index_cast %add3A_469 : i32 to index
        %get3A_471 = arith.constant 16 : index
        %get3A_472 = tpu.vector_load %arg16[%get3A_470, %get3A_471] {strides = array<i32>} : memref<512x32xf32, #tpu.memory_space<vmem>>, vector<16xf32>,
        %mul3A_473 = vector.broadcast %squeeze3A_455 : f32 to vector<16xf32>
        %mul3A_474 = arith.mulf %get3A_472, %mul3A_473 : vector<16xf32>
        %add3A_475 = arith.constant 14 : i32
        %add3A_476 = arith.addi %mul3A_90, %add3A_475 : i32
        %swap3A_477 = arith.index_cast %add3A_476 : i32 to index
        %swap3A_478 = arith.constant 16 : index
        %swap3A_479 = tpu.vector_load %arg16[%swap3A_477, %swap3A_478] {strides = array<i32>} : memref<512x32xf32, #tpu.memory_space<vmem>>, vector<16xf32>,
        tpu.vector_store %arg16[%swap3A_477, %swap3A_478], %mul3A_474 {strides = array<i32>} : memref<512x32xf32, #tpu.memory_space<vmem>>, vector<16xf32>,
        %slice3A_480 = vector.extract_strided_slice %get3A_92 {offsets = [15], sizes = [1], strides = [1]} : vector<16xf32> to vector<1xf32>
        %squeeze3A_481 = vector.extract %slice3A_480[0] : f32 from vector<1xf32>
        %add3A_482 = arith.constant 15 : i32
        %add3A_483 = arith.addi %mul3A_90, %add3A_482 : i32
        %get3A_484 = arith.index_cast %add3A_483 : i32 to index
        %get3A_485 = arith.constant 0 : index
        %get3A_486 = tpu.vector_load %arg16[%get3A_484, %get3A_485] {strides = array<i32>} : memref<512x32xf32, #tpu.memory_space<vmem>>, vector<16xf32>,
        %mul3A_487 = vector.broadcast %squeeze3A_481 : f32 to vector<16xf32>
        %mul3A_488 = arith.mulf %get3A_486, %mul3A_487 : vector<16xf32>
        %add3A_489 = arith.constant 15 : i32
        %add3A_490 = arith.addi %mul3A_90, %add3A_489 : i32
        %swap3A_491 = arith.index_cast %add3A_490 : i32 to index
        %swap3A_492 = arith.constant 0 : index
        %swap3A_493 = tpu.vector_load %arg16[%swap3A_491, %swap3A_492] {strides = array<i32>} : memref<512x32xf32, #tpu.memory_space<vmem>>, vector<16xf32>,
        tpu.vector_store %arg16[%swap3A_491, %swap3A_492], %mul3A_488 {strides = array<i32>} : memref<512x32xf32, #tpu.memory_space<vmem>>, vector<16xf32>,
        %add3A_494 = arith.constant 15 : i32
        %add3A_495 = arith.addi %mul3A_90, %add3A_494 : i32
        %get3A_496 = arith.index_cast %add3A_495 : i32 to index
        %get3A_497 = arith.constant 16 : index
        %get3A_498 = tpu.vector_load %arg16[%get3A_496, %get3A_497] {strides = array<i32>} : memref<512x32xf32, #tpu.memory_space<vmem>>, vector<16xf32>,
        %mul3A_499 = vector.broadcast %squeeze3A_481 : f32 to vector<16xf32>
        %mul3A_500 = arith.mulf %get3A_498, %mul3A_499 : vector<16xf32>
        %add3A_501 = arith.constant 15 : i32
        %add3A_502 = arith.addi %mul3A_90, %add3A_501 : i32
        %swap3A_503 = arith.index_cast %add3A_502 : i32 to index
        %swap3A_504 = arith.constant 16 : index
        %swap3A_505 = tpu.vector_load %arg16[%swap3A_503, %swap3A_504] {strides = array<i32>} : memref<512x32xf32, #tpu.memory_space<vmem>>, vector<16xf32>,
        tpu.vector_store %arg16[%swap3A_503, %swap3A_504], %mul3A_500 {strides = array<i32>} : memref<512x32xf32, #tpu.memory_space<vmem>>, vector<16xf32>,
      }
      %scan3A_86 = arith.constant 32 : i32
      %add3A_87 = arith.addi %mul3A_4, %mul3A_18 : i32
      "tpu.region"() ({
        %run_scoped3A = tpu.sem_alloc : memref<!tpu.dma_semaphore, #tpu.memory_space<semaphore_mem>>
        %dma_start3A_88 = arith.constant 0 : i32
        %dma_start3A_89 = tpu.memref_slice %arg6[%add3A_87, %dma_start3A_88] : memref<163840x32xf32, #tpu.memory_space<hbm>> -> memref<512x32xf32, #tpu.memory_space<hbm>>
        %dma_start3A_90 = arith.constant 0 : i32
        %dma_start3A_91 = tpu.memref_slice %arg6[%add3A_87, %dma_start3A_90] : memref<163840x32xf32, #tpu.memory_space<hbm>> -> memref<512x32xf32, #tpu.memory_space<hbm>>
        tpu.enqueue_dma source(%arg16 : memref<512x32xf32, #tpu.memory_space<vmem>>) target(%dma_start3A_91 : memref<512x32xf32, #tpu.memory_space<hbm>>) target_semaphore(%run_scoped3A : memref<!tpu.dma_semaphore, #tpu.memory_space<semaphore_mem>>)
        %dma_wait3A_92 = arith.constant 0 : i32
        %dma_wait3A_93 = tpu.memref_slice %arg6[%add3A_87, %dma_wait3A_92] : memref<163840x32xf32, #tpu.memory_space<hbm>> -> memref<512x32xf32, #tpu.memory_space<hbm>>
        %dma_wait3A_94 = arith.constant 0 : i32
        %dma_wait3A_95 = tpu.memref_slice %arg6[%add3A_87, %dma_wait3A_94] : memref<163840x32xf32, #tpu.memory_space<hbm>> -> memref<512x32xf32, #tpu.memory_space<hbm>>
        tpu.wait_dma2 semaphore(%run_scoped3A : memref<!tpu.dma_semaphore, #tpu.memory_space<semaphore_mem>>) src(%arg16 : memref<512x32xf32, #tpu.memory_space<vmem>>) dst(%dma_wait3A_95 : memref<512x32xf32, #tpu.memory_space<hbm>>)
        tpu.yield
      }) : () -> ()
    }
    %scan3A_15 = arith.constant 10 : i32
    return
  }
}

</mosaic_0001>

<sc_bundles>
// kernel: kernel.3.cloned.1.call-start
scs
__scs_entry_jumppad:
0x0: {  	(pc) =	sbr.rel $0x88, $3  }
0x1: {  	(tag) =	ssettag $0x0;
	lr =	simm.s32 $0x1  }
0x2: {  	[smem:$0x3F9D] =	sst lr;
	_ =	strace $0xD0000000  }
0x3: {  	_ = 	snop  }
0x4: {  	_ = 	snop  }
0x5: {  	_ = 	snop  }
0x6: {  	_ = 	snop  }
0x7: {  	_ = 	snop  }
__scs_overlays_trampoline_lowered:
0x8: {  	[smem:$0x3FAC] =	sst s0  }
0x9: {  	[smem:$0x3FAD] =	sst s1  }
0xa: {  	[smem:$0x3FAE] =	sst s2  }
0xb: {  	[smem:$0x3FAF] =	sst s3  }
0xc: {  	[smem:$0x3FB0] =	sst s4  }
0xd: {  	[smem:$0x3FB1] =	sst s5  }
0xe: {  	[smem:$0x3FB2] =	sst s6  }
0xf: {  	[smem:$0x3FB3] =	sst s7  }
0x10: {  	[smem:$0x3FB4] =	sst s8  }
0x11: {  	[smem:$0x3FB5] =	sst s9;
	s0 =	simm.s32 @!p0 $0x0  }
0x12: {  	s1 =	sld [smem:$0x3F9B];
	s0 =	simm.s32 @p0 $0x1  }
0x13: {  	[smem:$0x3FB6] =	sst s0;
	s0 =	simm.s32 @!p1 $0x0  }
0x14: {  	s2 =	sld [smem:$0x3F9A];
	s0 =	simm.s32 @p1 $0x1  }
0x15: {  	[smem:$0x3FB7] =	sst s0;
	s0 =	simm.s32 @!p2 $0x0  }
0x16: {  	s3 =	sld [smem:$0x3FDB];
	s0 =	simm.s32 @p2 $0x1  }
0x17: {  	s4 =	simm.s32 $0x1BF5;
	[smem:$0x3FB9] =	sst s0  }
0x18: {  	s0 =	sld [smem:$0x3F9C];
	_ =	swait.ge [sflag:s4], $0x0  }
0x19: {  	s7 =	sld [smem:$0x3F9D]  }
0x1a: {  	s8 =	sadd.s32 $0xFFFFE003, lr  }
0x1b: {  	s9 =	sadd.s32 $0xFFFFFEF7, lr;
	s5 =	simm.s32 $0xFFFFFFFF;
	p2 =	slt.u32 s8, $0xFFFFF086  }
0x1c: {  	p1 =	slt.u32 s9, $0xF7A;
	s5 =	simm.s32 @!p2 $0x0  }
0x1d: {  	s5 =	simm.s32 @p1 $0x1;
	p0 =	seq.s32 s7, s2  }
0x1e: {  	s7 =	smul.u32 @!p0 $0xF7A, s2;
	p2 =	seq.s32 @!p0 s5, $0x0  }
0x1f: {  	s9 =	smul.u32 $0xF7A, s1;
	s8 =	simm.s32 @!p0 $0x1BF5;
	p2 =	por !p2, p0  }
0x20: {  	[sflag:s8] =	ssyncset.s32 @!p0 $0xFFFFF086;
	s6 =	sadd.s32 @!p0 s3, s7;
	s7 =	simm.s32 @!p0 $0x108  }
0x21: {  	s3 =	sadd.s32 s3, s9;
	s6 =	sadd.s32 @!p0 $0x88, s6;
	s7 =	simm.s32 @p2 $0x1082  }
0x22: {  	[simem:s7], [sflag:s8] =	dma.local @!p0 [hbm:s6], $0xF7A  }
0x23: {  	s9 =	sor.u32 $0xD0000000, s2;
	s6 =	simm.s32 $0x108;
	_ =	swait.ge @!p0 [sflag:s8], $0x0  }
0x24: {  	s3 =	sadd.s32 $0x88, s3;
	s6 =	simm.s32 @!p1 $0x1082;
	[sflag:s4] =	ssyncset.s32 $0xFFFFF086  }
0x25: {  	[simem:s6], [sflag:s4] =	dma.local [hbm:s3], $0xF7A  }
0x26: {  	[smem:$0x3F9D] =	sst s1;
	(tag) =	ssettag s2;
	_ =	strace s9  }
0x27: {  	s1 =	sld [smem:$0x3FAD]  }
0x28: {  	s2 =	sld [smem:$0x3FAE]  }
0x29: {  	s4 =	sld [smem:$0x3FB0]  }
0x2a: {  	p0 =	seq.s32 s5, $0x0;
	s5 =	sld [smem:$0x3FB1]  }
0x2b: {  	s6 =	sld [smem:$0x3FB2]  }
0x2c: {  	s7 =	sld [smem:$0x3FB3]  }
0x2d: {  	s3 =	simm.s32 $0x108;
	s8 =	sld [smem:$0x3FB4]  }
0x2e: {  	s3 =	simm.s32 @!p0 $0x1082;
	s9 =	sld [smem:$0x3FB5]  }
0x2f: {  	lr =	sadd.s32 s0, s3;
	s0 =	sld [smem:$0x3FAC]  }
0x30: {  	s3 =	sld [smem:$0x3FAF]  }
0x31: {  	[smem:$0x3FB8] =	sst s10  }
0x32: {  	s10 =	sld [smem:$0x3FB6];
	_ =	sdelay $0x3  }
0x33: {  	p0 =	seq.s32 s10, $0x1;
	s10 =	sld [smem:$0x3FB8];
	_ =	sdelay $0x3  }
0x34: {  	[smem:$0x3FB8] =	sst s10  }
0x35: {  	s10 =	sld [smem:$0x3FB7];
	_ =	sdelay $0x3  }
0x36: {  	p1 =	seq.s32 s10, $0x1;
	s10 =	sld [smem:$0x3FB8];
	_ =	sdelay $0x3  }
0x37: {  	[smem:$0x3FB8] =	sst s10  }
0x38: {  	s10 =	sld [smem:$0x3FB9]  }
0x39: {  	_ = 	snop;
	(pc) =	sbr.ind lr, $3  }
0x3a: {  	_ = 	snop  }
0x3b: {  	_ = 	snop  }
0x3c: {  	p2 =	seq.s32 s10, $0x1;
	s10 =	sld [smem:$0x3FB8]  }
0x3d: {  	_ =	shalt  }
0x3e: {  	_ =	shalt  }
0x3f: {  	_ =	shalt  }
0x40: {  	_ =	shalt  }
0x41: {  	_ =	shalt  }
0x42: {  	_ =	shalt  }
0x43: {  	_ =	shalt  }
0x44: {  	_ =	shalt  }
0x45: {  	_ =	shalt  }
0x46: {  	_ =	shalt  }
0x47: {  	_ =	shalt  }
0x48: {  	_ =	shalt  }
0x49: {  	_ =	shalt  }
0x4a: {  	_ =	shalt  }
0x4b: {  	_ =	shalt  }
0x4c: {  	_ =	shalt  }
0x4d: {  	_ =	shalt  }
0x4e: {  	_ =	shalt  }
0x4f: {  	_ =	shalt  }
0x50: {  	_ =	shalt  }
0x51: {  	_ =	shalt  }
0x52: {  	_ =	shalt  }
0x53: {  	_ =	shalt  }
0x54: {  	_ =	shalt  }
0x55: {  	_ =	shalt  }
0x56: {  	_ =	shalt  }
0x57: {  	_ =	shalt  }
0x58: {  	_ =	shalt  }
0x59: {  	_ =	shalt  }
0x5a: {  	_ =	shalt  }
0x5b: {  	_ =	shalt  }
0x5c: {  	_ =	shalt  }
0x5d: {  	_ =	shalt  }
0x5e: {  	_ =	shalt  }
0x5f: {  	_ =	shalt  }
0x60: {  	_ =	shalt  }
0x61: {  	_ =	shalt  }
0x62: {  	_ =	shalt  }
0x63: {  	_ =	shalt  }
0x64: {  	_ =	shalt  }
0x65: {  	_ =	shalt  }
0x66: {  	_ =	shalt  }
0x67: {  	_ =	shalt  }
0x68: {  	_ =	shalt  }
0x69: {  	_ =	shalt  }
0x6a: {  	_ =	shalt  }
0x6b: {  	_ =	shalt  }
0x6c: {  	_ =	shalt  }
0x6d: {  	_ =	shalt  }
0x6e: {  	_ =	shalt  }
0x6f: {  	_ =	shalt  }
0x70: {  	_ =	shalt  }
0x71: {  	_ =	shalt  }
0x72: {  	_ =	shalt  }
0x73: {  	_ =	shalt  }
0x74: {  	_ =	shalt  }
0x75: {  	_ =	shalt  }
0x76: {  	_ =	shalt  }
0x77: {  	_ =	shalt  }
0x78: {  	_ =	shalt  }
0x79: {  	_ =	shalt  }
0x7a: {  	_ =	shalt  }
0x7b: {  	_ =	shalt  }
0x7c: {  	_ =	shalt  }
0x7d: {  	_ =	shalt  }
0x7e: {  	_ =	shalt  }
0x7f: {  	_ =	shalt  }
0x80: {  	_ =	shalt  }
0x81: {  	_ =	shalt  }
0x82: {  	_ =	shalt  }
0x83: {  	_ =	shalt  }
0x84: {  	_ =	shalt  }
0x85: {  	_ =	shalt  }
0x86: {  	_ =	shalt  }
0x87: {  	_ =	shalt  }
.Lfunc_end0:
.L_simem_size_0:
called_computation_lowered:
.L_overlay_start_0:
0x88: {  	s2 =	sld [smem:$0x3FD9]  }
0x89: {  	s3 =	sld [smem:$0x3FFE];
	_ =	sdelay $0x1  }
0x8a: {  	s1 =	srdreg.scid  }
0x8b: {  	s0 =	sand.u32 $0x1, s1  }
0x8c: {  	s14 =	sshll.u32 s0, $0xA;
	s2 =	sadd.s32 s3, s2  }
0x8d: {  	s2 =	sadd.s32 s2, s14  }
0x8e: {  	[smem:$0x3FC4] =	sst s2  }
0x8f: {  	_ = 	snop  }
0x90: {  	s2 =	sld [smem:$0x3FD0];
	_ =	sdelay $0x2  }
0x91: {  	s4 =	simm.s32 $0xA;
	s5 =	simm.s32 $0x10;
	s15 =	sld [smem:$0x3FC6]  }
0x92: {  	[smem:s5], [sflag:s4] =	dma.local [hbm:s2], $0x1  }
0x93: {  	_ =	swait.eq [sflag:s4], $0x1  }
0x94: {  	s16 =	sld [smem:$0x10];
	[sflag:s4] =	ssyncset.done $0x0  }
0x95: {  	s17 =	sld [smem:$0x11];
	[sflag:s4] =	ssyncadd.s32 $0xFFFFFFFF  }
0x96: {  	s18 =	sld [smem:$0x12];
	(tm) =	ssettm $0x1  }
0x97: {  	s6 =	sld [smem:$0x3FFB];
	_ =	sdelay $0x3  }
0x98: {  	_ =	strace s6  }
0x99: {  	s6 =	sld [smem:$0x3FFC];
	_ =	sdelay $0x3  }
0x9a: {  	_ =	strace s6  }
0x9b: {  	s6 =	sld [smem:$0x3FFD];
	_ =	sdelay $0x3  }
0x9c: {  	_ =	strace s6  }
0x9d: {  	_ =	strace $0x8FFFFFFF  }
0x9e: {  	s19 =	sld [smem:$0x3FDB];
	_ =	sdelay $0x1  }
0x9f: {  	s7 =	simm.s32 $_scs_section_size  }
0xa0: {  	s8 =	simm.s32 $_size__tile_overlayer_lowered;
	s9 =	simm.s32 $_tile_overlayer_lowered  }
0xa1: {  	s22 =	simm.s32 $0x1BFF;
	s21 =	sshll.u32 s9, $0x1;
	s6 =	sadd.s32 s7, s19  }
0xa2: {  	s10 =	simm.s32 $0x0;
	s20 =	sshll.u32 s8, $0x1;
	s8 =	sadd.s32 s21, s6  }
0xa3: {  	[timem:s10], [sflag:s22] =	dma.local [hbm:s8], s20  }
0xa4: {  	_ =	swait.ge [sflag:s22], s20  }
0xa5: {  	s7 =	ssub.s32 $0x0, s20;
	[sflag:s22] =	ssyncset.done $0x0  }
0xa6: {  	[sflag:s22] =	ssyncadd.s32 s7;
	_ =	sdelay $0x1  }
0xa7: {  	s23 =	simm.s32 $0x1B8B  }
0xa8: {  	_ =	swait.ge [sflag:s23], $0x1  }
0xa9: {  	[sflag:s23] =	ssyncset.done $0x0  }
0xaa: {  	s25 =	simm.s32 $0x1B8E;
	s24 =	sld [smem:$0x3FFE];
	[sflag:s23] =	ssyncadd.s32 $0xFFFFFFFF  }
0xab: {  	s26 =	simm.s32 $execute0_lowered;
	[smem:$0x3FD2] =	sst s25  }
0xac: {  	s8 =	sshll.u32 s26, $0x1;
	_ =	strace $0x80000046;
	[dreg:$0x1] =	wrdreg $0xFFFFFFFF  }
0xad: {  	s28 =	simm.s32 $_size_execute0_lowered;
	s6 =	sadd.s32 s6, s8;
	[dreg:$0x0] =	wrdreg $0x0  }
0xae: {  	s8 =	sshll.u32 s28, $0x1;
	[dreg:$0x2] =	wrdreg s6  }
0xaf: {  	[dreg:$0x3] =	wrdreg s8  }
0xb0: {  	[dreg:$0x4] =	wrdreg $0xC0  }
0xb1: {  	_ =	task [dreg:s10], $0x5FFFF  }
0xb2: {  	[dreg:$0x1] =	wrdreg $0xFFFFFFFF  }
0xb3: {  	[dreg:$0x0] =	wrdreg $0x60  }
0xb4: {  	[dreg:$0x2] =	wrdreg s24  }
0xb5: {  	[dreg:$0x3] =	wrdreg s17  }
0xb6: {  	[dreg:$0x4] =	wrdreg s15  }
0xb7: {  	[dreg:$0x5] =	wrdreg s16  }
0xb8: {  	[dreg:$0x6] =	wrdreg s18  }
0xb9: {  	[dreg:$0x7] =	wrdreg $0x9  }
0xba: {  	_ =	task.clear_ibuf [dreg:s10], $0x8FFFF;
	_ =	strace $0x90000046  }
0xbb: {  	s29 =	simm.s32 $0x9;
	_ =	strace $0x80000048  }
0xbc: {  	_ =	swait.ge [sflag:s29], $0x1  }
0xbd: {  	[sflag:s29] =	ssyncadd.s32 $0xFFFFFFFF  }
0xbe: {  	_ =	strace $0x90000048  }
0xbf: {  	_ =	sfence  }
0xc0: {  	s30 =	sld [smem:$0x0];
	_ =	sdelay $0x2  }
0xc1: {  	s31 =	sshll.u32 s1, $0xD;
	s1 =	sshrl.u32 s1, $0x2  }
0xc2: {  	s3 =	sand.u32 $0x4000, s31;
	s1 =	sadd.s32 s1, s30  }
0xc3: {  	s0 =	sor.u32 s3, s0;
	s1 =	sshll.u32 s1, $0x11  }
0xc4: {  	s0 =	sor.u32 s1, s0  }
0xc5: {  	s0 =	sadd.s32 $0x8F2B, s0  }
0xc6: {  	[sflag:s0] =	ssyncadd.remote.s32 $0x1  }
0xc7: {  	_ =	sfence.sel $0xFFFF  }
0xc8: {  	[dreg:$0x0] =	wrdreg $0xFFFFFFFF;
	(pc) =	sbr.abs _section_cstart, $3  }
0xc9: {  	[dreg:$0x1] =	wrdreg $0xFFFFFFFF  }
0xca: {  	_ =	task.clear_ibuf [dreg:s10], $0x2FFFF;
	_ =	strace $0x9FFFFFFF  }
0xcb: {  	(tm) =	ssettm $0x7FFFFFFF  }
tec
execute0_lowered:
.L_overlay_start_1:
0x0: {  	(tag) =	ssettag $0x1  }
0x1: {  	s0 =	rddreg [dreg:$0x0]  }
0x2: {  	s1 =	rddreg [dreg:$0x1]  }
0x3: {  	s8 =	rddreg [dreg:$0x2]  }
0x4: {  	s2 =	rddreg [dreg:$0x3]  }
0x5: {  	s3 =	srdreg.scid;
	s4 =	stileid.u32  }
0x6: {  	s10 =	rddreg [dreg:$0x4];
	s13 =	simm.s32 $0x4000;
	s14 =	simm.s32 $0x2  }
0x7: {  	s15 =	simm.s32 $0x1400;
	s16 =	simm.s32 $0x2C00;
	s17 =	simm.s32 $0x5400  }
0x8: {  	s18 =	simm.s32 $0x2A00;
	s19 =	simm.s32 $0x80;
	s20 =	simm.s32 $0x6800  }
0x9: {  	s21 =	simm.s32 $0x7800;
	s22 =	simm.s32 $0x8800;
	s23 =	simm.s32 $0x9800  }
0xa: {  	s24 =	simm.s32 $0x1;
	s25 =	simm.s32 $0x0;
	s6 =	sand.u32 $0x1, s3  }
0xb: {  	s4 =	sshll.u32 s4, $0x1;
	s3 =	simm.s32 $0x0;
	s5 =	sadd.s32 $0xF43400, s0  }
0xc: {  	s7 =	sor.u32 s6, s4;
	[smem:$0x7FF] =	sst s3;
	s6 =	ssub.s32 $0x2, s6  }
0xd: {  	s4 =	smul.u32 $0x1400, s7;
	s11 =	sshll.u32 s7, $0x6;
	s31 =	sshrl.u32 s6, $0x1  }
0xe: {  	_ =	strace $0x80000047;
	s9 =	sadd.s32 s11, s0;
	s12 =	ssub.s32 s6, s31  }
0xf: {  	s7 =	sadd.s32 s1, s11;
	s8 =	sadd.s32 s8, s11;
	s30 =	sshrl.u32 s4, $0x3  }
0x10: {  	v0 =	vlaneseq.u32;
	s10 =	sadd.s32 s10, s11;
	s6 =	sadd.s32 $0xE00, s9;
	s0 =	sadd.s32 s30, s0  }
0x11: {  	v2 =	vimm.f32 $0.0e+00;
	v1 =	vand.u32 $0x7, v0;
	v3 =	vor.u32 $0x1F8, v0;
	s11 =	smax.u32 s12, $0x1;
	s12 =	simm.s32 $0x200;
	s9 =	sadd.s32 $0x5E00, s0  }
.LBB2_1:
0x12: {  	[tilespmem:s3], [sflag:$0x2] =	stream.strided.gather [hbm4b:s6+s12], $0x1400, s13, s12, $0x38;
	[tilespmem:$0xA800] =	vst v63  }
0x13: {  	_ =	swait.ge [sflag:s14], $0x1400  }
0x14: {  	[sflag:s14] =	ssyncset.done $0x0  }
0x15: {  	[sflag:s14] =	ssyncadd.s32 $0xFFFFEC00  }
0x16: {  	[tilespmem:s15], [sflag:$0x2] =	stream.strided.gather [hbm4b:s7+s12], $0x1400, s13, s12, $0x38;
	[tilespmem:$0xA800] =	vst v63  }
0x17: {  	_ =	swait.ge [sflag:s14], $0x1400  }
0x18: {  	[sflag:s14] =	ssyncset.done $0x0  }
0x19: {  	s26 =	simm.s32 $0x2800;
	[sflag:s14] =	ssyncadd.s32 $0xFFFFEC00  }
0x1a: {  	[tilespmem:s26], [sflag:$0x2] =	stream.linear.gather [hbm4b:s8+s3], $0x200, $0x38;
	[tilespmem:$0xA800] =	vst v63  }
0x1b: {  	_ =	swait.ge [sflag:s14], $0x200  }
0x1c: {  	[sflag:s14] =	ssyncset.done $0x0  }
0x1d: {  	[sflag:s14] =	ssyncadd.s32 $0xFFFFFE00  }
0x1e: {  	v4 =	vld [tilespmem:s26+$0x0];
	_ =	sdelay $0x4  }
0x1f: {  	vm0 =	vgt.s32 v4, $0x1  }
0x20: {  	v5 =	vnsel vm0, $0x1, v4  }
0x21: {  	v7 =	vor.u32 s3, v0;
	v5 =	vmin.u32 v5, $0xA  }
0x22: {  	v8 =	vand.u32 $0x1F8, v7;
	v6 =	vshll.u32 v5, $0x9  }
0x23: {  	v5 =	vor.u32 v8, v6  }
0x24: {  	v5 =	vor.u32 v1, v5  }
0x25: {  	v5 =	vadd.s32 $0xFFFFFE00, v5  }
0x26: {  	vm1 =	vgt.s32 v4, $0x0  }
0x27: {  	v25 =	vnsel vm1, $0x0, v4  }
0x28: {  	v8 =	vmin.u32 v25, $0xA  }
0x29: {  	[tilespmem:s18+$0x0] =	vst v8  }
0x2a: {  	v8 =	vld.idx.msk [tilespmem:v5+s3+$0x0], $0xffff;
	_ =	sdelay $0x1  }
0x2b: {  	v9 =	vld.idx.msk [tilespmem:v5+s15+$0x0], $0xffff  }
0x2c: {  	v5 =	vmul.u32 $0xA, v7  }
0x2d: {  	v10 =	vadd.s32 $0xFFFFFC00, v6  }
0x2e: {  	v10 =	vnsel vm0, $0x200, v10;
	v7 =	vand.u32 v3, v7;
	vm2 =	vgt.s32 v8, $0x0  }
0x2f: {  	v12 =	vsel vm1, $0x3F800000, v2;
	v10 =	vor.u32 v10, v7;
	v11 =	vnsel vm2, $0x0, v8  }
0x30: {  	vm13 =	veq.s32 v8, $0xFFFFFFFF;
	v9 =	vmin.f32 v9, $1.000000000e+00;
	v26 =	vmin.u32 v11, $0xF4240  }
0x31: {  	v9 =	vmul.f32 v9, v12;
	v8 =	vsel vm13, $0xF4240, v26  }
0x32: {  	[tilespmem:v5+s16+$0x0] =	vst.idx.msk $0xffff, v8  }
0x33: {  	[tilespmem:v5+s13+$0x0] =	vst.idx.msk $0xffff, v9  }
0x34: {  	[tilespmem:v5+s17+$0x0] =	vst.idx.msk $0xffff, v12  }
0x35: {  	v8 =	vld.idx.msk [tilespmem:v10+s3+$0x0], $0xffff;
	_ =	sdelay $0x1  }
0x36: {  	v9 =	vld.idx.msk [tilespmem:v10+s15+$0x0], $0xffff;
	_ =	sdelay $0x1  }
0x37: {  	vm14 =	vgt.s32 v4, $0x2;
	v27 =	vadd.s32 $0xFFFFFA00, v6;
	v28 =	vor.u32 $0x1, v5  }
0x38: {  	v10 =	vnsel vm14, $0x400, v27;
	vm15 =	vgt.s32 v8, $0x0  }
0x39: {  	v13 =	vsel vm0, $0x3F800000, v2;
	v10 =	vor.u32 v10, v7;
	v29 =	vnsel vm15, $0x0, v8  }
0x3a: {  	vm4 =	veq.s32 v8, $0xFFFFFFFF;
	v9 =	vmin.f32 v9, $1.000000000e+00;
	v30 =	vmin.u32 v29, $0xF4240  }
0x3b: {  	v9 =	vmul.f32 v9, v13;
	v8 =	vsel vm4, $0xF4240, v30  }
0x3c: {  	[tilespmem:v28+s16+$0x0] =	vst.idx.msk $0xffff, v8  }
0x3d: {  	[tilespmem:v28+s13+$0x0] =	vst.idx.msk $0xffff, v9  }
0x3e: {  	[tilespmem:v28+s17+$0x0] =	vst.idx.msk $0xffff, v13  }
0x3f: {  	v8 =	vld.idx.msk [tilespmem:v10+s3+$0x0], $0xffff;
	_ =	sdelay $0x1  }
0x40: {  	v9 =	vld.idx.msk [tilespmem:v10+s15+$0x0], $0xffff;
	_ =	sdelay $0x1  }
0x41: {  	vm5 =	vgt.s32 v4, $0x3;
	v31 =	vadd.s32 $0xFFFFF800, v6;
	v32 =	vadd.s32 $0x2, v5  }
0x42: {  	v10 =	vnsel vm5, $0x600, v31;
	vm6 =	vgt.s32 v8, $0x0  }
0x43: {  	v34 =	vsel vm14, $0x3F800000, v2;
	v10 =	vor.u32 v10, v7;
	v33 =	vnsel vm6, $0x0, v8  }
0x44: {  	vm7 =	veq.s32 v8, $0xFFFFFFFF;
	v9 =	vmin.f32 v9, $1.000000000e+00;
	v35 =	vmin.u32 v33, $0xF4240  }
0x45: {  	v9 =	vmul.f32 v9, v34;
	v8 =	vsel vm7, $0xF4240, v35  }
0x46: {  	[tilespmem:v32+s16+$0x0] =	vst.idx.msk $0xffff, v8  }
0x47: {  	[tilespmem:v32+s13+$0x0] =	vst.idx.msk $0xffff, v9  }
0x48: {  	[tilespmem:v32+s17+$0x0] =	vst.idx.msk $0xffff, v34  }
0x49: {  	v8 =	vld.idx.msk [tilespmem:v10+s3+$0x0], $0xffff;
	_ =	sdelay $0x1  }
0x4a: {  	v9 =	vld.idx.msk [tilespmem:v10+s15+$0x0], $0xffff;
	_ =	sdelay $0x1  }
0x4b: {  	vm8 =	vgt.s32 v4, $0x4;
	v36 =	vadd.s32 $0xFFFFF600, v6;
	v37 =	vadd.s32 $0x3, v5  }
0x4c: {  	v10 =	vnsel vm8, $0x800, v36;
	vm9 =	vgt.s32 v8, $0x0  }
0x4d: {  	v39 =	vsel vm5, $0x3F800000, v2;
	v10 =	vor.u32 v10, v7;
	v38 =	vnsel vm9, $0x0, v8  }
0x4e: {  	vm10 =	veq.s32 v8, $0xFFFFFFFF;
	v9 =	vmin.f32 v9, $1.000000000e+00;
	v40 =	vmin.u32 v38, $0xF4240  }
0x4f: {  	v9 =	vmul.f32 v9, v39;
	v8 =	vsel vm10, $0xF4240, v40  }
0x50: {  	[tilespmem:v37+s16+$0x0] =	vst.idx.msk $0xffff, v8  }
0x51: {  	[tilespmem:v37+s13+$0x0] =	vst.idx.msk $0xffff, v9  }
0x52: {  	[tilespmem:v37+s17+$0x0] =	vst.idx.msk $0xffff, v39  }
0x53: {  	v8 =	vld.idx.msk [tilespmem:v10+s3+$0x0], $0xffff;
	_ =	sdelay $0x1  }
0x54: {  	v9 =	vld.idx.msk [tilespmem:v10+s15+$0x0], $0xffff;
	_ =	sdelay $0x1  }
0x55: {  	vm11 =	vgt.s32 v4, $0x5;
	v41 =	vadd.s32 $0xFFFFF400, v6;
	v42 =	vadd.s32 $0x4, v5  }
0x56: {  	v10 =	vnsel vm11, $0xA00, v41;
	vm12 =	vgt.s32 v8, $0x0  }
0x57: {  	v44 =	vsel vm8, $0x3F800000, v2;
	v10 =	vor.u32 v10, v7;
	v43 =	vnsel vm12, $0x0, v8  }
0x58: {  	vm13 =	veq.s32 v8, $0xFFFFFFFF;
	v9 =	vmin.f32 v9, $1.000000000e+00;
	v45 =	vmin.u32 v43, $0xF4240  }
0x59: {  	v9 =	vmul.f32 v9, v44;
	v8 =	vsel vm13, $0xF4240, v45  }
0x5a: {  	[tilespmem:v42+s16+$0x0] =	vst.idx.msk $0xffff, v8  }
0x5b: {  	[tilespmem:v42+s13+$0x0] =	vst.idx.msk $0xffff, v9  }
0x5c: {  	[tilespmem:v42+s17+$0x0] =	vst.idx.msk $0xffff, v44  }
0x5d: {  	v8 =	vld.idx.msk [tilespmem:v10+s3+$0x0], $0xffff;
	_ =	sdelay $0x1  }
0x5e: {  	v9 =	vld.idx.msk [tilespmem:v10+s15+$0x0], $0xffff;
	_ =	sdelay $0x1  }
0x5f: {  	v46 =	vadd.s32 $0xFFFFF200, v6;
	v47 =	vadd.s32 $0x5, v5;
	vm14 =	vgt.s32 v4, $0x6  }
0x60: {  	v10 =	vnsel vm14, $0xC00, v46;
	vm15 =	vgt.s32 v8, $0x0  }
0x61: {  	v49 =	vsel vm11, $0x3F800000, v2;
	v10 =	vor.u32 v10, v7;
	v48 =	vnsel vm15, $0x0, v8  }
0x62: {  	vm4 =	veq.s32 v8, $0xFFFFFFFF;
	v9 =	vmin.f32 v9, $1.000000000e+00;
	v50 =	vmin.u32 v48, $0xF4240  }
0x63: {  	v9 =	vmul.f32 v9, v49;
	v8 =	vsel vm4, $0xF4240, v50  }
0x64: {  	[tilespmem:v47+s16+$0x0] =	vst.idx.msk $0xffff, v8  }
0x65: {  	[tilespmem:v47+s13+$0x0] =	vst.idx.msk $0xffff, v9  }
0x66: {  	[tilespmem:v47+s17+$0x0] =	vst.idx.msk $0xffff, v49  }
0x67: {  	v8 =	vld.idx.msk [tilespmem:v10+s3+$0x0], $0xffff;
	_ =	sdelay $0x1  }
0x68: {  	v9 =	vld.idx.msk [tilespmem:v10+s15+$0x0], $0xffff;
	_ =	sdelay $0x1  }
0x69: {  	v51 =	vadd.s32 $0xFFFFF000, v6;
	v52 =	vadd.s32 $0x6, v5;
	vm5 =	vgt.s32 v4, $0x7  }
0x6a: {  	v10 =	vnsel vm5, $0xE00, v51;
	vm6 =	vgt.s32 v8, $0x0  }
0x6b: {  	v54 =	vsel vm14, $0x3F800000, v2;
	v10 =	vor.u32 v10, v7;
	v53 =	vnsel vm6, $0x0, v8  }
0x6c: {  	v9 =	vmin.f32 v9, $1.000000000e+00;
	vm7 =	veq.s32 v8, $0xFFFFFFFF;
	v55 =	vmin.u32 v53, $0xF4240  }
0x6d: {  	v9 =	vmul.f32 v9, v54;
	v8 =	vsel vm7, $0xF4240, v55  }
0x6e: {  	[tilespmem:v52+s16+$0x0] =	vst.idx.msk $0xffff, v8  }
0x6f: {  	[tilespmem:v52+s13+$0x0] =	vst.idx.msk $0xffff, v9  }
0x70: {  	[tilespmem:v52+s17+$0x0] =	vst.idx.msk $0xffff, v54  }
0x71: {  	v8 =	vld.idx.msk [tilespmem:v10+s3+$0x0], $0xffff;
	_ =	sdelay $0x1  }
0x72: {  	v9 =	vld.idx.msk [tilespmem:v10+s15+$0x0], $0xffff;
	_ =	sdelay $0x1  }
0x73: {  	v56 =	vadd.s32 $0xFFFFEE00, v6;
	v57 =	vadd.s32 $0x7, v5;
	vm8 =	vgt.s32 v4, $0x8  }
0x74: {  	v10 =	vnsel vm8, $0x1000, v56;
	vm9 =	vgt.s32 v8, $0x0  }
0x75: {  	v59 =	vsel vm5, $0x3F800000, v2;
	v10 =	vor.u32 v10, v7;
	v58 =	vnsel vm9, $0x0, v8  }
0x76: {  	v9 =	vmin.f32 v9, $1.000000000e+00;
	vm10 =	veq.s32 v8, $0xFFFFFFFF;
	v60 =	vmin.u32 v58, $0xF4240  }
0x77: {  	v9 =	vmul.f32 v9, v59;
	v8 =	vsel vm10, $0xF4240, v60  }
0x78: {  	[tilespmem:v57+s16+$0x0] =	vst.idx.msk $0xffff, v8  }
0x79: {  	[tilespmem:v57+s13+$0x0] =	vst.idx.msk $0xffff, v9  }
0x7a: {  	[tilespmem:v57+s17+$0x0] =	vst.idx.msk $0xffff, v59  }
0x7b: {  	v8 =	vld.idx.msk [tilespmem:v10+s3+$0x0], $0xffff;
	_ =	sdelay $0x1  }
0x7c: {  	v9 =	vld.idx.msk [tilespmem:v10+s15+$0x0], $0xffff  }
0x7d: {  	v61 =	vand.u32 $0x1FFE, v5  }
0x7e: {  	v6 =	vadd.s32 $0xFFFFEC00, v6;
	vm11 =	vgt.s32 v4, $0x9;
	v10 =	vadd.s32 $0x8, v61  }
0x7f: {  	v4 =	vnsel vm11, $0x1200, v6;
	vm12 =	vgt.s32 v8, $0x0  }
0x80: {  	v62 =	vsel vm8, $0x3F800000, v2;
	v4 =	vor.u32 v4, v7;
	v6 =	vnsel vm12, $0x0, v8  }
0x81: {  	v9 =	vmin.f32 v9, $1.000000000e+00;
	vm13 =	veq.s32 v8, $0xFFFFFFFF;
	v6 =	vmin.u32 v6, $0xF4240  }
0x82: {  	v7 =	vmul.f32 v9, v62;
	v6 =	vsel vm13, $0xF4240, v6  }
0x83: {  	[tilespmem:v10+s16+$0x0] =	vst.idx.msk $0xffff, v6  }
0x84: {  	[tilespmem:v10+s13+$0x0] =	vst.idx.msk $0xffff, v7  }
0x85: {  	[tilespmem:v10+s17+$0x0] =	vst.idx.msk $0xffff, v62  }
0x86: {  	v6 =	vld.idx.msk [tilespmem:v4+s3+$0x0], $0xffff;
	_ =	sdelay $0x1  }
0x87: {  	v7 =	vld.idx.msk [tilespmem:v4+s15+$0x0], $0xffff;
	_ =	sdelay $0x1  }
0x88: {  	v4 =	vadd.s32 $0x9, v5  }
0x89: {  	vm14 =	vgt.s32 v6, $0x0  }
0x8a: {  	v5 =	vsel vm11, $0x3F800000, v2;
	v63 =	vnsel vm14, $0x0, v6  }
0x8b: {  	vm15 =	veq.s32 v6, $0xFFFFFFFF;
	v7 =	vmin.f32 v7, $1.000000000e+00;
	v6 =	vmin.u32 v63, $0xF4240  }
0x8c: {  	v7 =	vmul.f32 v7, v5;
	v6 =	vsel vm15, $0xF4240, v6  }
0x8d: {  	[tilespmem:v4+s16+$0x0] =	vst.idx.msk $0xffff, v6  }
0x8e: {  	s28 =	simm.s32 $0x10;
	s29 =	simm.s32 $0x2A00;
	[tilespmem:v4+s13+$0x0] =	vst.idx.msk $0xffff, v7  }
.LBB2_2:
0x8f: {  	p0 =	sne.s32 s28, $0x1F0;
	[tilespmem:v4+s17+$0x0] =	vst.idx.msk $0xffff, v5;
	s26 =	sadd.s32 $0x10, s26;
	s29 =	sadd.s32 $0x10, s29  }
0x90: {  	s0 =	smov.u32 s28;
	s28 =	sadd.s32 $0x10, s28;
	v4 =	vld [tilespmem:s26+$0x0];
	_ =	sdelay $0x4  }
0x91: {  	vm3 =	vgt.s32 v4, $0x1;
	vm4 =	vgt.s32 v4, $0x0  }
0x92: {  	v5 =	vnsel vm3, $0x1, v4;
	v6 =	vnsel vm4, $0x0, v4  }
0x93: {  	v7 =	vor.u32 s0, v0;
	v5 =	vmin.u32 v5, $0xA;
	v8 =	vmin.u32 v6, $0xA  }
0x94: {  	vm2 =	vgt.s32 v4, $0x2;
	v6 =	vand.u32 $0x1F8, v7;
	v5 =	vshll.u32 v5, $0x9  }
0x95: {  	v6 =	vor.u32 v6, v5;
	v9 =	vadd.s32 $0xFFFFFC00, v5;
	v10 =	vadd.s32 $0xFFFFFA00, v5  }
0x96: {  	v6 =	vor.u32 v1, v6;
	v13 =	vnsel vm3, $0x200, v9;
	v14 =	vnsel vm2, $0x400, v10  }
0x97: {  	vm1 =	vgt.s32 v4, $0x3;
	v15 =	vadd.s32 $0xFFFFFE00, v6;
	v6 =	vadd.s32 $0xFFFFF800, v5  }
0x98: {  	vm0 =	vgt.s32 v4, $0x4;
	v16 =	vnsel vm1, $0x600, v6;
	v6 =	vadd.s32 $0xFFFFF600, v5  }
0x99: {  	v12 =	vadd.s32 $0xFFFFF400, v5;
	v11 =	vadd.s32 $0xFFFFF200, v5;
	v17 =	vnsel vm0, $0x800, v6  }
0x9a: {  	v10 =	vadd.s32 $0xFFFFF000, v5;
	v9 =	vadd.s32 $0xFFFFEE00, v5;
	v6 =	vadd.s32 $0xFFFFEC00, v5  }
0x9b: {  	[tilespmem:s29+$0x0] =	vst v8  }
0x9c: {  	v18 =	vld.idx.msk [tilespmem:v15+s3+$0x0], $0xffff;
	_ =	sdelay $0x1  }
0x9d: {  	v15 =	vld.idx.msk [tilespmem:v15+s15+$0x0], $0xffff;
	_ =	sdelay $0x1  }
0x9e: {  	v5 =	vmul.u32 $0xA, v7;
	_ =	sdelay $0x1  }
0x9f: {  	v7 =	vand.u32 v3, v7;
	v8 =	vand.u32 $0x1FFE, v5;
	vm5 =	vgt.s32 v18, $0x0  }
0xa0: {  	v20 =	vsel vm4, $0x3F800000, v2;
	v13 =	vor.u32 v13, v7;
	v19 =	vnsel vm5, $0x0, v18  }
0xa1: {  	vm4 =	veq.s32 v18, $0xFFFFFFFF;
	v18 =	vmin.u32 v19, $0xF4240;
	v15 =	vmin.f32 v15, $1.000000000e+00  }
0xa2: {  	v18 =	vsel vm4, $0xF4240, v18;
	v15 =	vmul.f32 v15, v20  }
0xa3: {  	[tilespmem:v5+s16+$0x0] =	vst.idx.msk $0xffff, v18  }
0xa4: {  	[tilespmem:v5+s13+$0x0] =	vst.idx.msk $0xffff, v15  }
0xa5: {  	[tilespmem:v5+s17+$0x0] =	vst.idx.msk $0xffff, v20  }
0xa6: {  	v15 =	vld.idx.msk [tilespmem:v13+s3+$0x0], $0xffff;
	_ =	sdelay $0x1  }
0xa7: {  	v13 =	vld.idx.msk [tilespmem:v13+s15+$0x0], $0xffff;
	_ =	sdelay $0x2  }
0xa8: {  	v18 =	vor.u32 $0x1, v5  }
0xa9: {  	vm4 =	vgt.s32 v15, $0x0  }
0xaa: {  	v14 =	vor.u32 v14, v7;
	v20 =	vsel vm3, $0x3F800000, v2;
	v19 =	vnsel vm4, $0x0, v15  }
0xab: {  	vm3 =	veq.s32 v15, $0xFFFFFFFF;
	v15 =	vmin.u32 v19, $0xF4240;
	v13 =	vmin.f32 v13, $1.000000000e+00  }
0xac: {  	v15 =	vsel vm3, $0xF4240, v15;
	v13 =	vmul.f32 v13, v20  }
0xad: {  	[tilespmem:v18+s16+$0x0] =	vst.idx.msk $0xffff, v15  }
0xae: {  	[tilespmem:v18+s13+$0x0] =	vst.idx.msk $0xffff, v13  }
0xaf: {  	[tilespmem:v18+s17+$0x0] =	vst.idx.msk $0xffff, v20  }
0xb0: {  	v13 =	vld.idx.msk [tilespmem:v14+s3+$0x0], $0xffff;
	_ =	sdelay $0x1  }
0xb1: {  	v14 =	vld.idx.msk [tilespmem:v14+s15+$0x0], $0xffff;
	_ =	sdelay $0x2  }
0xb2: {  	v15 =	vadd.s32 $0x2, v5  }
0xb3: {  	vm3 =	vgt.s32 v13, $0x0  }
0xb4: {  	v16 =	vor.u32 v16, v7;
	v19 =	vsel vm2, $0x3F800000, v2;
	v18 =	vnsel vm3, $0x0, v13  }
0xb5: {  	vm2 =	veq.s32 v13, $0xFFFFFFFF;
	v13 =	vmin.u32 v18, $0xF4240;
	v14 =	vmin.f32 v14, $1.000000000e+00  }
0xb6: {  	v13 =	vsel vm2, $0xF4240, v13;
	v14 =	vmul.f32 v14, v19  }
0xb7: {  	[tilespmem:v15+s16+$0x0] =	vst.idx.msk $0xffff, v13  }
0xb8: {  	[tilespmem:v15+s13+$0x0] =	vst.idx.msk $0xffff, v14  }
0xb9: {  	[tilespmem:v15+s17+$0x0] =	vst.idx.msk $0xffff, v19  }
0xba: {  	v13 =	vld.idx.msk [tilespmem:v16+s3+$0x0], $0xffff;
	_ =	sdelay $0x1  }
0xbb: {  	v14 =	vld.idx.msk [tilespmem:v16+s15+$0x0], $0xffff;
	_ =	sdelay $0x2  }
0xbc: {  	v15 =	vadd.s32 $0x3, v5  }
0xbd: {  	vm2 =	vgt.s32 v13, $0x0  }
0xbe: {  	v17 =	vor.u32 v17, v7;
	v18 =	vsel vm1, $0x3F800000, v2;
	v16 =	vnsel vm2, $0x0, v13  }
0xbf: {  	vm1 =	veq.s32 v13, $0xFFFFFFFF;
	v13 =	vmin.u32 v16, $0xF4240;
	v14 =	vmin.f32 v14, $1.000000000e+00  }
0xc0: {  	v13 =	vsel vm1, $0xF4240, v13;
	v14 =	vmul.f32 v14, v18  }
0xc1: {  	[tilespmem:v15+s16+$0x0] =	vst.idx.msk $0xffff, v13  }
0xc2: {  	[tilespmem:v15+s13+$0x0] =	vst.idx.msk $0xffff, v14  }
0xc3: {  	[tilespmem:v15+s17+$0x0] =	vst.idx.msk $0xffff, v18  }
0xc4: {  	v13 =	vld.idx.msk [tilespmem:v17+s3+$0x0], $0xffff;
	_ =	sdelay $0x1  }
0xc5: {  	v14 =	vld.idx.msk [tilespmem:v17+s15+$0x0], $0xffff;
	_ =	sdelay $0x2  }
0xc6: {  	vm1 =	vgt.s32 v4, $0x5;
	v15 =	vadd.s32 $0x4, v5  }
0xc7: {  	v12 =	vnsel vm1, $0xA00, v12;
	vm2 =	vgt.s32 v13, $0x0  }
0xc8: {  	v12 =	vor.u32 v12, v7;
	v17 =	vsel vm0, $0x3F800000, v2;
	v16 =	vnsel vm2, $0x0, v13  }
0xc9: {  	vm0 =	veq.s32 v13, $0xFFFFFFFF;
	v13 =	vmin.u32 v16, $0xF4240;
	v14 =	vmin.f32 v14, $1.000000000e+00  }
0xca: {  	v13 =	vsel vm0, $0xF4240, v13;
	v14 =	vmul.f32 v14, v17  }
0xcb: {  	[tilespmem:v15+s16+$0x0] =	vst.idx.msk $0xffff, v13  }
0xcc: {  	[tilespmem:v15+s13+$0x0] =	vst.idx.msk $0xffff, v14  }
0xcd: {  	[tilespmem:v15+s17+$0x0] =	vst.idx.msk $0xffff, v17  }
0xce: {  	v13 =	vld.idx.msk [tilespmem:v12+s3+$0x0], $0xffff;
	_ =	sdelay $0x1  }
0xcf: {  	v12 =	vld.idx.msk [tilespmem:v12+s15+$0x0], $0xffff;
	_ =	sdelay $0x2  }
0xd0: {  	vm0 =	vgt.s32 v4, $0x6;
	v14 =	vadd.s32 $0x5, v5  }
0xd1: {  	v11 =	vnsel vm0, $0xC00, v11;
	vm2 =	vgt.s32 v13, $0x0  }
0xd2: {  	v16 =	vsel vm1, $0x3F800000, v2;
	v11 =	vor.u32 v11, v7;
	v15 =	vnsel vm2, $0x0, v13  }
0xd3: {  	vm1 =	veq.s32 v13, $0xFFFFFFFF;
	v13 =	vmin.u32 v15, $0xF4240;
	v12 =	vmin.f32 v12, $1.000000000e+00  }
0xd4: {  	v13 =	vsel vm1, $0xF4240, v13;
	v12 =	vmul.f32 v12, v16  }
0xd5: {  	[tilespmem:v14+s16+$0x0] =	vst.idx.msk $0xffff, v13  }
0xd6: {  	[tilespmem:v14+s13+$0x0] =	vst.idx.msk $0xffff, v12  }
0xd7: {  	[tilespmem:v14+s17+$0x0] =	vst.idx.msk $0xffff, v16  }
0xd8: {  	v12 =	vld.idx.msk [tilespmem:v11+s3+$0x0], $0xffff  }
0xd9: {  	v11 =	vld.idx.msk [tilespmem:v11+s15+$0x0], $0xffff;
	_ =	sdelay $0x3  }
0xda: {  	vm1 =	vgt.s32 v4, $0x7;
	v13 =	vadd.s32 $0x6, v5  }
0xdb: {  	v10 =	vnsel vm1, $0xE00, v10;
	vm2 =	vgt.s32 v12, $0x0  }
0xdc: {  	v15 =	vsel vm0, $0x3F800000, v2;
	v14 =	vnsel vm2, $0x0, v12;
	v11 =	vmin.f32 v11, $1.000000000e+00  }
0xdd: {  	v10 =	vor.u32 v10, v7;
	vm0 =	veq.s32 v12, $0xFFFFFFFF;
	v12 =	vmin.u32 v14, $0xF4240  }
0xde: {  	v11 =	vmul.f32 v11, v15;
	v12 =	vsel vm0, $0xF4240, v12  }
0xdf: {  	[tilespmem:v13+s16+$0x0] =	vst.idx.msk $0xffff, v12  }
0xe0: {  	[tilespmem:v13+s13+$0x0] =	vst.idx.msk $0xffff, v11  }
0xe1: {  	[tilespmem:v13+s17+$0x0] =	vst.idx.msk $0xffff, v15  }
0xe2: {  	v11 =	vld.idx.msk [tilespmem:v10+s3+$0x0], $0xffff  }
0xe3: {  	v10 =	vld.idx.msk [tilespmem:v10+s15+$0x0], $0xffff;
	_ =	sdelay $0x3  }
0xe4: {  	vm0 =	vgt.s32 v4, $0x8;
	v12 =	vadd.s32 $0x7, v5  }
0xe5: {  	v9 =	vnsel vm0, $0x1000, v9;
	vm2 =	vgt.s32 v11, $0x0  }
0xe6: {  	v14 =	vsel vm1, $0x3F800000, v2;
	v13 =	vnsel vm2, $0x0, v11;
	v10 =	vmin.f32 v10, $1.000000000e+00  }
0xe7: {  	v9 =	vor.u32 v9, v7;
	vm1 =	veq.s32 v11, $0xFFFFFFFF;
	v11 =	vmin.u32 v13, $0xF4240  }
0xe8: {  	v10 =	vmul.f32 v10, v14;
	v11 =	vsel vm1, $0xF4240, v11  }
0xe9: {  	[tilespmem:v12+s16+$0x0] =	vst.idx.msk $0xffff, v11  }
0xea: {  	[tilespmem:v12+s13+$0x0] =	vst.idx.msk $0xffff, v10  }
0xeb: {  	[tilespmem:v12+s17+$0x0] =	vst.idx.msk $0xffff, v14  }
0xec: {  	v10 =	vld.idx.msk [tilespmem:v9+s3+$0x0], $0xffff  }
0xed: {  	v9 =	vld.idx.msk [tilespmem:v9+s15+$0x0], $0xffff;
	_ =	sdelay $0x3  }
0xee: {  	v8 =	vadd.s32 $0x8, v8;
	vm1 =	vgt.s32 v4, $0x9  }
0xef: {  	v4 =	vnsel vm1, $0x1200, v6;
	vm2 =	vgt.s32 v10, $0x0  }
0xf0: {  	v11 =	vsel vm0, $0x3F800000, v2;
	v6 =	vnsel vm2, $0x0, v10;
	v9 =	vmin.f32 v9, $1.000000000e+00  }
0xf1: {  	v4 =	vor.u32 v4, v7;
	vm0 =	veq.s32 v10, $0xFFFFFFFF;
	v6 =	vmin.u32 v6, $0xF4240  }
0xf2: {  	v7 =	vmul.f32 v9, v11;
	v6 =	vsel vm0, $0xF4240, v6  }
0xf3: {  	[tilespmem:v8+s16+$0x0] =	vst.idx.msk $0xffff, v6  }
0xf4: {  	[tilespmem:v8+s13+$0x0] =	vst.idx.msk $0xffff, v7  }
0xf5: {  	[tilespmem:v8+s17+$0x0] =	vst.idx.msk $0xffff, v11  }
0xf6: {  	v6 =	vld.idx.msk [tilespmem:v4+s3+$0x0], $0xffff  }
0xf7: {  	v7 =	vld.idx.msk [tilespmem:v4+s15+$0x0], $0xffff;
	_ =	sdelay $0x3  }
0xf8: {  	v4 =	vadd.s32 $0x9, v5  }
0xf9: {  	vm0 =	vgt.s32 v6, $0x0  }
.Ltmp0:
0xfa: {  	v5 =	vsel vm1, $0x3F800000, v2;
	v8 =	vnsel vm0, $0x0, v6;
	(pc) =	sbr.rel @p0 .LBB2_2-.Ltmp0, $4  }
0xfb: {  	vm0 =	veq.s32 v6, $0xFFFFFFFF;
	v7 =	vmin.f32 v7, $1.000000000e+00;
	v6 =	vmin.u32 v8, $0xF4240  }
0xfc: {  	v7 =	vmul.f32 v7, v5;
	v6 =	vsel vm0, $0xF4240, v6  }
0xfd: {  	[tilespmem:v4+s16+$0x0] =	vst.idx.msk $0xffff, v6  }
0xfe: {  	[tilespmem:v4+s13+$0x0] =	vst.idx.msk $0xffff, v7  }
0xff: {  	_ =	sdelay $0x3  }
0x100: {  	[tilespmem:v4+s17+$0x0] =	vst.idx.msk $0xffff, v5;
	s26 =	simm.s32 $0x0  }
0x101: {  	[hbm4b:s9+s26] =	stream.linear.scatter [tilespmem:s17], [sflag:$0x2], $0x1400, $0x38;
	[tilespmem:$0xA800] =	vst v63  }
0x102: {  	_ =	swait.ge [sflag:s14], $0x1400  }
0x103: {  	[sflag:s14] =	ssyncset.done $0x0  }
0x104: {  	[sflag:s14] =	ssyncadd.s32 $0xFFFFEC00  }
0x105: {  	[hbm4b:s10+s26] =	stream.linear.scatter [tilespmem:s18], [sflag:$0x2], $0x200, $0x38;
	[tilespmem:$0xA800] =	vst v63  }
0x106: {  	_ =	swait.ge [sflag:s14], $0x200  }
0x107: {  	[sflag:s14] =	ssyncset.done $0x0  }
0x108: {  	s28 =	simm.s32 $0x4000;
	[sflag:s14] =	ssyncadd.s32 $0xFFFFFE00  }
.LBB2_4:
0x109: {  	s29 =	sshll.u32 s26, $0x9  }
0x10a: {  	s0 =	sadd.s32 $0x2C00, s29  }
0x10b: {  	[tilespmem:s20], [sflag:$0x1] =	stream.indirect.gather [hbm4b:s5+s19], $0x20, s0, s19, $0xb8;
	[tilespmem:$0xA800] =	vst v63  }
0x10c: {  	s1 =	sadd.s32 $0x2C80, s29  }
0x10d: {  	[tilespmem:s21], [sflag:$0x1] =	stream.indirect.gather [hbm4b:s5+s19], $0x20, s1, s19, $0xb8;
	[tilespmem:$0xA800] =	vst v63  }
0x10e: {  	s1 =	sadd.s32 $0x2D00, s29  }
0x10f: {  	[tilespmem:s22], [sflag:$0x1] =	stream.indirect.gather [hbm4b:s5+s19], $0x20, s1, s19, $0xb8;
	[tilespmem:$0xA800] =	vst v63  }
0x110: {  	s1 =	sadd.s32 $0x2D80, s29  }
0x111: {  	[tilespmem:s23], [sflag:$0x1] =	stream.indirect.gather [hbm4b:s5+s19], $0x20, s1, s19, $0xb8;
	[tilespmem:$0xA800] =	vst v63  }
0x112: {  	_ =	swait.ge [sflag:s24], $0x1000  }
0x113: {  	[sflag:s24] =	ssyncset.done $0x0  }
0x114: {  	[sflag:s24] =	ssyncadd.s32 $0xFFFFF000  }
0x115: {  	_ =	swait.ge [sflag:s24], $0x1000  }
0x116: {  	[sflag:s24] =	ssyncset.done $0x0  }
0x117: {  	[sflag:s24] =	ssyncadd.s32 $0xFFFFF000  }
0x118: {  	_ =	swait.ge [sflag:s24], $0x1000  }
0x119: {  	[sflag:s24] =	ssyncset.done $0x0  }
0x11a: {  	[sflag:s24] =	ssyncadd.s32 $0xFFFFF000  }
0x11b: {  	_ =	swait.ge [sflag:s24], $0x1000  }
0x11c: {  	[sflag:s24] =	ssyncset.done $0x0  }
0x11d: {  	s30 =	simm.s32 $0x6900;
	[sflag:s24] =	ssyncadd.s32 $0xFFFFF000  }
0x11e: {  	v10 =	vld [tilespmem:s30+$0xFFFFFFA0]  }
0x11f: {  	v7 =	vld [tilespmem:s30+$0xFFFFFFF0]  }
0x120: {  	v4 =	vld [tilespmem:s30+$0xFFFFFF60]  }
0x121: {  	v8 =	vmov s28;
	v11 =	vld [tilespmem:s30+$0xFFFFFFD0]  }
0x122: {  	v12 =	vld [tilespmem:s30+$0x80]  }
0x123: {  	v15 =	vld [tilespmem:s30+$0xFFFFFF10]  }
0x124: {  	v19 =	vld [tilespmem:s30+$0xE0]  }
0x125: {  	s1 =	simm.s32 $0x0;
	v14 =	vld [tilespmem:s30+$0xFFFFFF40]  }
0x126: {  	v5 =	vld.idx.msk [tilespmem:v8+s1+$0x0 ss:$0x1], $0xffff  }
0x127: {  	v6 =	vld [tilespmem:s30+$0xFFFFFF90]  }
0x128: {  	v13 =	vld [tilespmem:s30+$0xFFFFFFC0]  }
0x129: {  	v16 =	vld [tilespmem:s30+$0xFFFFFF00]  }
0x12a: {  	v17 =	vld [tilespmem:s30+$0xD0]  }
0x12b: {  	v26 =	vld [tilespmem:s30+$0xC0]  }
0x12c: {  	v24 =	vld [tilespmem:s30+$0x90];
	v22 =	vbroadcast v5, $0x0;
	v9 =	vbroadcast v5, $0xF  }
0x12d: {  	v25 =	vld [tilespmem:s30+$0xFFFFFF50];
	v23 =	vbroadcast v5, $0x2;
	v21 =	vbroadcast v5, $0xE  }
0x12e: {  	v20 =	vld [tilespmem:s30+$0xB0];
	v18 =	vbroadcast v5, $0xC;
	v28 =	vmul.f32 v22, v16  }
0x12f: {  	s31 =	simm.s32 $0x40;
	s1 =	simm.s32 $0x6900;
	v16 =	vbroadcast v5, $0xD;
	v27 =	vmul.f32 v14, v23;
	v14 =	vld [tilespmem:s30+$0x60]  }
.LBB2_5:
0x130: {  	p0 =	sne.s32 s31, $0x7C0  }
0x131: {  	[tilespmem:s30+$0xFFFFFF00] =	vst v28;
	v28 =	vld [tilespmem:s30+$0xFFFFFFB0];
	v26 =	vmul.f32 v26, v21;
	v19 =	vmul.f32 v19, v9;
	s1 =	sadd.s32 $0x200, s1;
	s0 =	smov.u32 s31;
	s31 =	sadd.s32 $0x40, s31  }
0x132: {  	[tilespmem:s30+$0xFFFFFF40] =	vst v27;
	v27 =	vbroadcast v5, $0xA;
	v24 =	vmul.f32 v24, v18;
	v29 =	vld [tilespmem:s30+$0xA0]  }
0x133: {  	v15 =	vmul.f32 v15, v22;
	v22 =	vmul.f32 v25, v23;
	v23 =	vld [tilespmem:s30+$0x70];
	[tilespmem:s30+$0xE0] =	vst v19  }
0x134: {  	v19 =	vbroadcast v5, $0x5;
	v25 =	vld [tilespmem:s30+$0xFFFFFFE0];
	v20 =	vmul.f32 v20, v16;
	[tilespmem:s30+$0xC0] =	vst v26  }
0x135: {  	v17 =	vmul.f32 v17, v21;
	[tilespmem:s30+$0xFFFFFF10] =	vst v15;
	v15 =	vbroadcast v5, $0x6;
	v26 =	vld [tilespmem:s30+$0x40]  }
0x136: {  	v30 =	vbroadcast v5, $0xB;
	v10 =	vmul.f32 v10, v19;
	v21 =	vld [tilespmem:s30+$0xFFFFFF20];
	[tilespmem:s30+$0x90] =	vst v24  }
0x137: {  	v24 =	vbroadcast v5, $0x9;
	[tilespmem:s30+$0xFFFFFF50] =	vst v22;
	v22 =	vld [tilespmem:s30+$0x20];
	v16 =	vmul.f32 v29, v16  }
0x138: {  	v19 =	vmul.f32 v28, v19;
	v28 =	vld [tilespmem:s30+$0x50];
	v23 =	vmul.f32 v23, v30;
	[tilespmem:s30+$0xD0] =	vst v17  }
0x139: {  	v12 =	vmul.f32 v12, v18;
	v17 =	vbroadcast v5, $0x7;
	v29 =	vld [tilespmem:s30+$0x30];
	[tilespmem:s30+$0xA0] =	vst v16  }
0x13a: {  	v13 =	vmul.f32 v13, v15;
	v16 =	vbroadcast v5, $0x3;
	v18 =	vld [tilespmem:s30+$0x0];
	[tilespmem:s30+$0x70] =	vst v23  }
0x13b: {  	v14 =	vmul.f32 v14, v30;
	v11 =	vmul.f32 v11, v15;
	v15 =	vld [tilespmem:s30+$0x10];
	[tilespmem:s30+$0x80] =	vst v12  }
0x13c: {  	v23 =	vbroadcast v5, $0x8;
	v26 =	vmul.f32 v26, v27;
	v12 =	vld [tilespmem:s30+$0xFFFFFF30];
	[tilespmem:s30+$0xB0] =	vst v20  }
0x13d: {  	v20 =	vbroadcast v5, $0x1;
	v30 =	vld [tilespmem:s30+$0xFFFFFF70];
	[tilespmem:s30+$0xFFFFFFD0] =	vst v11;
	v27 =	vmul.f32 v28, v27  }
0x13e: {  	v7 =	vmul.f32 v7, v17;
	v11 =	vmul.f32 v25, v17;
	[tilespmem:s30+$0xFFFFFFC0] =	vst v13;
	v13 =	vld [tilespmem:s30+$0xF0]  }
0x13f: {  	v25 =	vmul.f32 v29, v24;
	v17 =	vld [tilespmem:s30+$0xFFFFFF80];
	[tilespmem:s30+$0xFFFFFFA0] =	vst v10;
	v18 =	vmul.f32 v18, v23  }
0x140: {  	v10 =	vld [tilespmem:s1+$0xFFFFFFA0];
	[tilespmem:s30+$0xFFFFFFF0] =	vst v7;
	v23 =	vmul.f32 v15, v23;
	v15 =	vmul.f32 v22, v24  }
0x141: {  	v7 =	vmul.f32 v21, v20;
	v20 =	vmul.f32 v12, v20;
	[tilespmem:s30+$0x60] =	vst v14  }
0x142: {  	v4 =	vmul.f32 v4, v16;
	v12 =	vmul.f32 v30, v16;
	[tilespmem:s30+$0xFFFFFFB0] =	vst v19  }
0x143: {  	v5 =	vbroadcast v5, $0x4;
	[tilespmem:s30+$0xFFFFFF20] =	vst v7;
	v7 =	vmul.f32 v13, v9  }
0x144: {  	[tilespmem:s30+$0xFFFFFF60] =	vst v4  }
0x145: {  	v9 =	vmul.f32 v17, v5;
	v4 =	vmul.f32 v6, v5;
	[tilespmem:s30+$0x40] =	vst v26  }
0x146: {  	[tilespmem:s30+$0xFFFFFFE0] =	vst v11  }
0x147: {  	[tilespmem:s30+$0xF0] =	vst v7  }
0x148: {  	[tilespmem:s30+$0xFFFFFF90] =	vst v4  }
0x149: {  	[tilespmem:s30+$0xFFFFFF70] =	vst v12  }
0x14a: {  	v7 =	vld [tilespmem:s1+$0xFFFFFFF0];
	[tilespmem:s30+$0x20] =	vst v15  }
0x14b: {  	v4 =	vld [tilespmem:s1+$0xFFFFFF60];
	[tilespmem:s30+$0x30] =	vst v25  }
0x14c: {  	v11 =	vld [tilespmem:s1+$0xFFFFFFD0];
	[tilespmem:s30+$0xFFFFFF80] =	vst v9  }
0x14d: {  	v12 =	vld [tilespmem:s1+$0x80];
	[tilespmem:s30+$0x50] =	vst v27  }
0x14e: {  	v15 =	vld [tilespmem:s1+$0xFFFFFF10];
	[tilespmem:s30+$0x0] =	vst v18  }
0x14f: {  	v19 =	vld [tilespmem:s1+$0xE0];
	[tilespmem:s30+$0xFFFFFF30] =	vst v20  }
0x150: {  	s0 =	sshra.s32 s0, $0x2;
	v14 =	vld [tilespmem:s1+$0xFFFFFF40];
	[tilespmem:s30+$0x10] =	vst v23;
	s30 =	smov.u32 s1  }
0x151: {  	v5 =	vld.idx.msk [tilespmem:v8+s0+$0x0 ss:$0x1], $0xffff  }
0x152: {  	v6 =	vld [tilespmem:s1+$0xFFFFFF90]  }
0x153: {  	v13 =	vld [tilespmem:s1+$0xFFFFFFC0]  }
0x154: {  	v16 =	vld [tilespmem:s1+$0xFFFFFF00]  }
0x155: {  	v17 =	vld [tilespmem:s1+$0xD0]  }
.Ltmp1:
0x156: {  	v26 =	vld [tilespmem:s1+$0xC0];
	(pc) =	sbr.rel @p0 .LBB2_5-.Ltmp1, $4  }
0x157: {  	v22 =	vbroadcast v5, $0x0;
	v9 =	vbroadcast v5, $0xF;
	v24 =	vld [tilespmem:s1+$0x90]  }
0x158: {  	v23 =	vbroadcast v5, $0x2;
	v21 =	vbroadcast v5, $0xE;
	v25 =	vld [tilespmem:s1+$0xFFFFFF50]  }
0x159: {  	v28 =	vmul.f32 v22, v16;
	v16 =	vbroadcast v5, $0xD;
	v20 =	vld [tilespmem:s1+$0xB0]  }
0x15a: {  	v18 =	vbroadcast v5, $0xC;
	v27 =	vmul.f32 v14, v23;
	v14 =	vld [tilespmem:s1+$0x60]  }
0x15b: {  	[tilespmem:s30+$0xFFFFFF00] =	vst v28;
	v8 =	vmul.f32 v19, v9  }
0x15c: {  	v28 =	vmul.f32 v26, v21;
	[tilespmem:s30+$0xFFFFFF40] =	vst v27  }
0x15d: {  	v15 =	vmul.f32 v15, v22;
	[tilespmem:s30+$0xE0] =	vst v8  }
0x15e: {  	v33 =	vmul.f32 v17, v21;
	[tilespmem:s30+$0xC0] =	vst v28  }
0x15f: {  	v31 =	vmul.f32 v24, v18;
	[tilespmem:s30+$0xFFFFFF10] =	vst v15  }
0x160: {  	v39 =	vbroadcast v5, $0x6;
	v12 =	vmul.f32 v12, v18;
	[tilespmem:s30+$0xD0] =	vst v33  }
0x161: {  	v23 =	vmul.f32 v25, v23;
	[tilespmem:s30+$0x90] =	vst v31  }
0x162: {  	v43 =	vbroadcast v5, $0x5;
	v11 =	vmul.f32 v11, v39;
	[tilespmem:s30+$0x80] =	vst v12  }
0x163: {  	v45 =	vbroadcast v5, $0x7;
	v13 =	vmul.f32 v13, v39;
	[tilespmem:s30+$0xFFFFFF50] =	vst v23  }
0x164: {  	v52 =	vbroadcast v5, $0x3;
	v10 =	vmul.f32 v10, v43;
	[tilespmem:s30+$0xFFFFFFD0] =	vst v11  }
0x165: {  	v29 =	vld [tilespmem:s30+$0xA0];
	v57 =	vbroadcast v5, $0x4;
	v7 =	vmul.f32 v7, v45;
	[tilespmem:s30+$0xFFFFFFC0] =	vst v13  }
0x166: {  	v30 =	vld [tilespmem:s30+$0x70];
	v4 =	vmul.f32 v4, v52;
	[tilespmem:s30+$0xFFFFFFA0] =	vst v10  }
0x167: {  	v32 =	vld [tilespmem:s30+$0xFFFFFFB0];
	v35 =	vbroadcast v5, $0xB;
	v6 =	vmul.f32 v6, v57;
	[tilespmem:s30+$0xFFFFFFF0] =	vst v7  }
0x168: {  	v34 =	vld [tilespmem:s30+$0xFFFFFF20];
	v41 =	vmul.f32 v20, v16;
	[tilespmem:s30+$0xFFFFFF60] =	vst v4  }
0x169: {  	v38 =	vld [tilespmem:s30+$0x40];
	v14 =	vmul.f32 v14, v35;
	[tilespmem:s30+$0xFFFFFF90] =	vst v6  }
0x16a: {  	v36 =	vld [tilespmem:s30+$0xFFFFFFE0];
	v37 =	vmul.f32 v29, v16;
	[tilespmem:s30+$0xB0] =	vst v41  }
0x16b: {  	v50 =	vbroadcast v5, $0x1;
	v53 =	vld [tilespmem:s30+$0xF0];
	v22 =	vmul.f32 v30, v35;
	[tilespmem:s30+$0x60] =	vst v14  }
0x16c: {  	v47 =	vld [tilespmem:s30+$0xFFFFFF70];
	v54 =	vbroadcast v5, $0xA;
	v51 =	vmul.f32 v32, v43;
	[tilespmem:s30+$0xA0] =	vst v37  }
0x16d: {  	v44 =	vld [tilespmem:s30+$0x30];
	v17 =	vmul.f32 v34, v50;
	[tilespmem:s30+$0x70] =	vst v22  }
0x16e: {  	v48 =	vld [tilespmem:s30+$0xFFFFFF80];
	v56 =	vmul.f32 v38, v54;
	[tilespmem:s30+$0xFFFFFFB0] =	vst v51  }
0x16f: {  	v42 =	vld [tilespmem:s30+$0x20];
	v8 =	vmul.f32 v36, v45;
	[tilespmem:s30+$0xFFFFFF20] =	vst v17  }
0x170: {  	v46 =	vld [tilespmem:s30+$0x0];
	v58 =	vbroadcast v5, $0x9;
	v4 =	vmul.f32 v53, v9;
	[tilespmem:s30+$0x40] =	vst v56  }
0x171: {  	v40 =	vld [tilespmem:s30+$0x50];
	v59 =	vmul.f32 v47, v52;
	[tilespmem:s30+$0xFFFFFFE0] =	vst v8  }
0x172: {  	v55 =	vld [tilespmem:s30+$0xFFFFFF30];
	v60 =	vmul.f32 v44, v58;
	[tilespmem:s30+$0xF0] =	vst v4  }
0x173: {  	v49 =	vld [tilespmem:s30+$0x10];
	v5 =	vbroadcast v5, $0x8;
	v61 =	vmul.f32 v48, v57;
	[tilespmem:s30+$0xFFFFFF70] =	vst v59  }
0x174: {  	v4 =	vmul.f32 v42, v58;
	[tilespmem:s30+$0x30] =	vst v60  }
0x175: {  	v62 =	vmul.f32 v46, v5;
	[tilespmem:s30+$0xFFFFFF80] =	vst v61  }
0x176: {  	[tilespmem:s30+$0x20] =	vst v4;
	v4 =	vmul.f32 v40, v54  }
0x177: {  	v63 =	vmul.f32 v55, v50;
	[tilespmem:s30+$0x0] =	vst v62  }
0x178: {  	s0 =	sadd.s32 s4, s29;
	s26 =	sadd.s32 $0x1, s26;
	[tilespmem:s30+$0x50] =	vst v4;
	v4 =	vmul.f32 v49, v5  }
0x179: {  	s0 =	sshll.u32 s0, $0x2;
	p0 =	sne.s32 s26, $0xA;
	[tilespmem:s30+$0xFFFFFF30] =	vst v63  }
.Ltmp2:
0x17a: {  	s0 =	sadd.s32 s2, s0;
	[tilespmem:s30+$0x10] =	vst v4;
	(pc) =	sbr.rel @p0 .LBB2_4-.Ltmp2, $4  }
0x17b: {  	[hbm4b:s0+s3] =	stream.linear.scatter [tilespmem:s20], [sflag:$0x2], $0x4000, $0x38;
	[tilespmem:$0xA800] =	vst v63  }
0x17c: {  	_ =	swait.ge [sflag:s14], $0x4000  }
0x17d: {  	[sflag:s14] =	ssyncset.done $0x0  }
0x17e: {  	s28 =	sadd.s32 $0x200, s28;
	[sflag:s14] =	ssyncadd.s32 $0xFFFFC000  }
0x17f: {  	s25 =	sadd.s32 $0x1, s25  }
0x180: {  	p0 =	sne.s32 s25, s11  }
.Ltmp3:
0x181: {  	_ = 	snop;
	(pc) =	sbr.rel @p0 .LBB2_1-.Ltmp3, $1  }
0x182: {  	_ =	sdelay $0x3  }
0x183: {  	_ =	sfence.sel $0x180000  }
0x184: {  	[bflag:$0x0] =	sbarrier.arrive $0xFFFF  }
0x185: {  	_ =	strace $0x90000047  }
0x186: {  	s0 =	stileid.u32;
	[bflag:$0x2] =	sbarrier.arrive $0xFFFF  }
0x187: {  	p0 =	sne.s32 s0, $0x0;
	s0 =	rddreg [dreg:$0x5]  }
0x188: {  	s0 =	sadd.s32 @!p0 $0x100000, s0  }
0x189: {  	[sflag:s0] =	ssyncadd.tile.s32 @!p0 $0x1;
	_ =	shalt  }
.Lfunc_end2:
_tile_overlayer_lowered:
.L_overlay_start_2:
0x18a: {  	(tag) =	ssettag $0x2  }
0x18b: {  	s0 =	rddreg [dreg:$0x0];
	s2 =	stileid.u32  }
0x18c: {  	s1 =	rddreg [dreg:$0x1];
	p0 =	sne.s32 s2, $0x0  }
0x18d: {  	s3 =	rddreg [dreg:$0x2];
	[bflag:$0x3] =	sbarrier.arrive $0xFFFF;
	s2 =	simm.s32 @!p0 $0x1C02  }
0x18e: {  	[timem:s3], [sflag:s2] =	dma.local @!p0 [hbm:s0], s1  }
0x18f: {  	s0 =	simm.s32 @!p0 $0x2  }
0x190: {  	_ =	swait.ge @!p0 [sflag:s0], s1  }
0x191: {  	s1 =	ssub.s32 @!p0 $0x0, s1;
	[sflag:s0] =	ssyncset.done @!p0 $0x0  }
0x192: {  	[sflag:s0] =	ssyncadd.s32 @!p0 s1  }
0x193: {  	[bflag:$0x3] =	sbarrier.arrive $0xFFFF  }
0x194: {  	_ =	shalt  }

</sc_bundles>
